<compile_context>
chip_gen: v7x
topology: tpu7x:2x2x1
jax: 0.10.2.dev20260603
libtpu: 0.0.44.dev20260713+nightly
codegen_flags: <defaults>
</compile_context>

<pallas_src>
import dataclasses
import functools

import jax
import jax.numpy as jnp
from jax import lax
from jax.experimental import pallas as pl
from jax.experimental.pallas import tpu as pltpu
from jax.experimental.pallas import tpu_sc as plsc

N_NODES = 10000
N_EDGES = 320000
D = 128

NC = 2
NS = 16
L = 16

CHUNK = 128
CPW = 80
N_CHUNKS = NC * NS * CPW
N_SUPER = N_CHUNKS // 2
SPW = CPW // 2
E_PAD = N_CHUNKS * CHUNK
RBLK = 80
N_RBLK = N_NODES // RBLK
RB_T = (N_RBLK + NS - 1) // NS


def _matmul_body(x_ref, w_ref, o_ref):
    o_ref[...] = jnp.dot(x_ref[...], w_ref[...],
                         preferred_element_type=jnp.float32)


def _combine_body(p_ref, b_ref, o_ref):
    o_ref[...] = p_ref[0] + p_ref[1] + b_ref[...]


def _sc_spmm(h, packed):
    mesh = plsc.VectorSubcoreMesh(core_axis_name="c", subcore_axis_name="s")
    cp = pltpu.CompilerParams()
    if "needs_layout_passes" in pltpu.CompilerParams.__dataclass_fields__:
        cp = dataclasses.replace(cp, needs_layout_passes=False)

    @functools.partial(
        pl.kernel,
        compiler_params=cp,
        out_type=jax.ShapeDtypeStruct((NC, N_NODES, D), jnp.float32),
        mesh=mesh,
        scratch_types=[
            pltpu.VMEM((8, CHUNK), jnp.int32),
            pltpu.VMEM((2 * CHUNK, D), jnp.float32),
            pltpu.VMEM_SHARED((N_NODES, D), jnp.float32),
            pltpu.SemaphoreType.DMA,
        ],
    )
    def spmm_kernel(h_hbm, packed_hbm, out_hbm,
                    idx2, rows_v, acc_sh, sem):
        cid = lax.axis_index("c")
        sid = lax.axis_index("s")

        @pl.loop(0, RBLK)
        def _(e):
            for k in range(D // L):
                rows_v[e, pl.ds(k * L, L)] = jnp.zeros((L,), jnp.float32)

        @pl.loop(0, RB_T)
        def _(t):
            blk = sid + t * NS

            @pl.when(blk < N_RBLK)
            def _():
                pltpu.sync_copy(rows_v.at[pl.ds(0, RBLK)],
                                acc_sh.at[pl.ds(blk * RBLK, RBLK)])

        plsc.subcore_barrier()
        wid = sid * NC + cid
        NW = NC * NS

        @pl.loop(0, SPW)
        def _(t):
            m = wid + t * NW
            pltpu.sync_copy(packed_hbm.at[m], idx2)
            cp0 = pltpu.async_copy(
                h_hbm.at[idx2.at[0]], rows_v.at[pl.ds(0, CHUNK)], sem)
            cp1 = pltpu.async_copy(
                h_hbm.at[idx2.at[1]], rows_v.at[pl.ds(CHUNK, CHUNK)], sem)
            cp0.wait()
            cp1.wait()

            @pl.loop(0, 2 * CHUNK // L)
            def _(g):
                vrow = 4 + g // (CHUNK // L)
                lane0 = (g % (CHUNK // L)) * L
                for e in range(L):
                    bits = plsc.load_gather(
                        idx2, [jnp.full((L,), vrow, jnp.int32),
                               jnp.full((L,), lane0 + e, jnp.int32)])
                    bcast = plsc.bitcast(bits, jnp.float32)
                    r = g * L + e
                    for k in range(D // L):
                        sl = pl.ds(k * L, L)
                        rows_v[r, sl] = rows_v[r, sl] * bcast

            pltpu.sync_copy(rows_v.at[pl.ds(0, CHUNK)],
                            acc_sh.at[idx2.at[2]], add=True)
            pltpu.sync_copy(rows_v.at[pl.ds(CHUNK, CHUNK)],
                            acc_sh.at[idx2.at[3]], add=True)

        plsc.subcore_barrier()

        @pl.loop(0, RB_T)
        def _(t):
            blk = sid + t * NS

            @pl.when(blk < N_RBLK)
            def _():
                pltpu.sync_copy(
                    acc_sh.at[pl.ds(blk * RBLK, RBLK)],
                    out_hbm.at[cid, pl.ds(blk * RBLK, RBLK)])

    return spmm_kernel(h, packed)


def kernel(x, edge_index, adj_values, W, b):
    row = edge_index[0].astype(jnp.int32)
    col = edge_index[1].astype(jnp.int32)
    val = adj_values.astype(jnp.float32)

    pad = E_PAD - N_EDGES
    c3 = jnp.pad(col, (0, pad)).reshape(N_SUPER, 2, CHUNK)
    r3 = jnp.pad(row, (0, pad)).reshape(N_SUPER, 2, CHUNK)
    v3 = jax.lax.bitcast_convert_type(
        jnp.pad(val, (0, pad)), jnp.int32).reshape(N_SUPER, 2, CHUNK)
    z3 = jnp.zeros((N_SUPER, 2, CHUNK), jnp.int32)
    packed = jnp.concatenate([c3, r3, v3, z3], axis=1)

    h = pl.pallas_call(
        _matmul_body,
        grid=(10,),
        in_specs=[
            pl.BlockSpec((N_NODES // 10, D), lambda i: (i, 0)),
            pl.BlockSpec((D, D), lambda i: (0, 0)),
        ],
        out_specs=pl.BlockSpec((N_NODES // 10, D), lambda i: (i, 0)),
        out_shape=jax.ShapeDtypeStruct((N_NODES, D), jnp.float32),
    )(x, W)

    partials = _sc_spmm(h, packed)

    b2 = b.reshape(1, D).astype(jnp.float32)
    out = pl.pallas_call(
        _combine_body,
        grid=(10,),
        in_specs=[
            pl.BlockSpec((NC, N_NODES // 10, D), lambda i: (0, i, 0)),
            pl.BlockSpec((1, D), lambda i: (0, 0)),
        ],
        out_specs=pl.BlockSpec((N_NODES // 10, D), lambda i: (i, 0)),
        out_shape=jax.ShapeDtypeStruct((N_NODES, D), jnp.float32),
    )(partials, b2)
    return out

# --- scband reference (transcript-rebuilt; emitter-appended) ---
"""Pipeline reference for scband-gcnconv-34626026340408 (READ-ONLY COPY).

The authoritative reference and input builder live on the scoring server;
editing this copy changes nothing except your own understanding.
"""

import jax, jax.numpy as jnp
import numpy as np

N_NODES = 10000
N_EDGES = 320000
D_IN = 128
D_OUT = 128


def setup_inputs(seed: int = 0) -> dict:
    key = jax.random.key(seed)
    k1, k2, k3, k4, k5 = jax.random.split(key, 5)
    x = jax.random.normal(k1, (N_NODES, D_IN), dtype=jnp.float32)
    edge_index = jax.random.randint(k2, (2, N_EDGES), 0, N_NODES, dtype=jnp.int64)
    adj_values = jax.random.uniform(k3, (N_EDGES,), dtype=jnp.float32)
    # xavier_uniform with gain=1.414 on [D_IN, D_OUT]
    limit = 1.414 * np.sqrt(6.0 / (D_IN + D_OUT))
    W = jax.random.uniform(k4, (D_IN, D_OUT), dtype=jnp.float32, minval=-limit, maxval=limit)
    b = jnp.zeros((D_OUT,), dtype=jnp.float32)
    return {"x": x, "edge_index": edge_index, "adj_values": adj_values, "W": W, "b": b}


def reference(x, edge_index, adj_values, W, b):
    # x = torch.matmul(x, self.weight)
    h = jnp.matmul(x, W)
    # x = torch.spmm(adj, x)  -- adj is sparse COO with indices edge_index (row=dst, col=src)
    # and values adj_values: out[r] = sum_c adj[r, c] * h[c]
    row = edge_index[0]
    col = edge_index[1]
    msg = h[col] * adj_values[:, None]
    out = jax.ops.segment_sum(msg, row, num_segments=N_NODES)
    # x += self.bias
    out = out + b
    return out

if __name__ == "__main__":
    import jax
    _d = setup_inputs()
    print(jax.jit(kernel)(*tuple(_d.values())))

</pallas_src>

<mosaic_0001>
#map = affine_map<(d0, d1) -> (0, 0)>
#map1 = affine_map<(d0, d1) -> (0, 0, 0)>
module attributes {stable_mosaic.version = 14 : i64} {
  func.func @spmm_kernel(%arg0: i32, %arg1: i32, %arg2: memref<10000x128xf32, #tpu.memory_space<hbm>>, %arg3: memref<1280x8x128xi32, #tpu.memory_space<hbm>>, %arg4: memref<2x10000x128xf32, #tpu.memory_space<hbm>>, %arg5: memref<8x128xi32, #tpu.memory_space<vmem>>, %arg6: memref<256x128xf32, #tpu.memory_space<vmem>>, %arg7: memref<10000x128xf32, #tpu.memory_space<vmem_shared>>, %arg8: memref<!tpu.dma_semaphore, #tpu.memory_space<semaphore_mem>>) attributes {dimension_semantics = [#tpu.dimension_semantics<core_parallel>, #tpu.dimension_semantics<subcore_parallel>], iteration_bounds = array<i64: 2, 16>, scalar_prefetch = 0 : i64, scratch_operands = 4 : i64, tpu.core_type = #tpu.core_type<sc_vector_subcore>, window_params = [{transform_indices = #map}, {transform_indices = #map1}, {transform_indices = #map1}]} {
    %scan3A = arith.constant 0 : i32
    %scan3A_0 = arith.constant 80 : i32
    %scan3A_1 = arith.addi %scan3A, %scan3A_0 : i32
    %scan3A_2 = arith.constant 1 : i32
    scf.for %scan3A_21 = %scan3A to %scan3A_1 step %scan3A_2  : i32 {
      %mul3A_22 = arith.constant 1 : i32
      %mul3A_23 = arith.muli %scan3A_21, %mul3A_22 : i32
      %add3A_24 = arith.constant 0 : i32
      %add3A_25 = arith.addi %add3A_24, %mul3A_23 : i32
      %broadcast_in_dim3A = arith.constant 0.000000e+00 : f32
      %broadcast_in_dim3A_26 = vector.broadcast %broadcast_in_dim3A : f32 to vector<16xf32>
      %swap3A = arith.index_cast %add3A_25 : i32 to index
      %swap3A_27 = arith.constant 0 : index
      %swap3A_28 = tpu.vector_load %arg6[%swap3A, %swap3A_27] {strides = array<i32>} : memref<256x128xf32, #tpu.memory_space<vmem>>, vector<16xf32>,
      tpu.vector_store %arg6[%swap3A, %swap3A_27], %broadcast_in_dim3A_26 {strides = array<i32>} : memref<256x128xf32, #tpu.memory_space<vmem>>, vector<16xf32>,
      %broadcast_in_dim3A_29 = arith.constant 0.000000e+00 : f32
      %broadcast_in_dim3A_30 = vector.broadcast %broadcast_in_dim3A_29 : f32 to vector<16xf32>
      %swap3A_31 = arith.index_cast %add3A_25 : i32 to index
      %swap3A_32 = arith.constant 16 : index
      %swap3A_33 = tpu.vector_load %arg6[%swap3A_31, %swap3A_32] {strides = array<i32>} : memref<256x128xf32, #tpu.memory_space<vmem>>, vector<16xf32>,
      tpu.vector_store %arg6[%swap3A_31, %swap3A_32], %broadcast_in_dim3A_30 {strides = array<i32>} : memref<256x128xf32, #tpu.memory_space<vmem>>, vector<16xf32>,
      %broadcast_in_dim3A_34 = arith.constant 0.000000e+00 : f32
      %broadcast_in_dim3A_35 = vector.broadcast %broadcast_in_dim3A_34 : f32 to vector<16xf32>
      %swap3A_36 = arith.index_cast %add3A_25 : i32 to index
      %swap3A_37 = arith.constant 32 : index
      %swap3A_38 = tpu.vector_load %arg6[%swap3A_36, %swap3A_37] {strides = array<i32>} : memref<256x128xf32, #tpu.memory_space<vmem>>, vector<16xf32>,
      tpu.vector_store %arg6[%swap3A_36, %swap3A_37], %broadcast_in_dim3A_35 {strides = array<i32>} : memref<256x128xf32, #tpu.memory_space<vmem>>, vector<16xf32>,
      %broadcast_in_dim3A_39 = arith.constant 0.000000e+00 : f32
      %broadcast_in_dim3A_40 = vector.broadcast %broadcast_in_dim3A_39 : f32 to vector<16xf32>
      %swap3A_41 = arith.index_cast %add3A_25 : i32 to index
      %swap3A_42 = arith.constant 48 : index
      %swap3A_43 = tpu.vector_load %arg6[%swap3A_41, %swap3A_42] {strides = array<i32>} : memref<256x128xf32, #tpu.memory_space<vmem>>, vector<16xf32>,
      tpu.vector_store %arg6[%swap3A_41, %swap3A_42], %broadcast_in_dim3A_40 {strides = array<i32>} : memref<256x128xf32, #tpu.memory_space<vmem>>, vector<16xf32>,
      %broadcast_in_dim3A_44 = arith.constant 0.000000e+00 : f32
      %broadcast_in_dim3A_45 = vector.broadcast %broadcast_in_dim3A_44 : f32 to vector<16xf32>
      %swap3A_46 = arith.index_cast %add3A_25 : i32 to index
      %swap3A_47 = arith.constant 64 : index
      %swap3A_48 = tpu.vector_load %arg6[%swap3A_46, %swap3A_47] {strides = array<i32>} : memref<256x128xf32, #tpu.memory_space<vmem>>, vector<16xf32>,
      tpu.vector_store %arg6[%swap3A_46, %swap3A_47], %broadcast_in_dim3A_45 {strides = array<i32>} : memref<256x128xf32, #tpu.memory_space<vmem>>, vector<16xf32>,
      %broadcast_in_dim3A_49 = arith.constant 0.000000e+00 : f32
      %broadcast_in_dim3A_50 = vector.broadcast %broadcast_in_dim3A_49 : f32 to vector<16xf32>
      %swap3A_51 = arith.index_cast %add3A_25 : i32 to index
      %swap3A_52 = arith.constant 80 : index
      %swap3A_53 = tpu.vector_load %arg6[%swap3A_51, %swap3A_52] {strides = array<i32>} : memref<256x128xf32, #tpu.memory_space<vmem>>, vector<16xf32>,
      tpu.vector_store %arg6[%swap3A_51, %swap3A_52], %broadcast_in_dim3A_50 {strides = array<i32>} : memref<256x128xf32, #tpu.memory_space<vmem>>, vector<16xf32>,
      %broadcast_in_dim3A_54 = arith.constant 0.000000e+00 : f32
      %broadcast_in_dim3A_55 = vector.broadcast %broadcast_in_dim3A_54 : f32 to vector<16xf32>
      %swap3A_56 = arith.index_cast %add3A_25 : i32 to index
      %swap3A_57 = arith.constant 96 : index
      %swap3A_58 = tpu.vector_load %arg6[%swap3A_56, %swap3A_57] {strides = array<i32>} : memref<256x128xf32, #tpu.memory_space<vmem>>, vector<16xf32>,
      tpu.vector_store %arg6[%swap3A_56, %swap3A_57], %broadcast_in_dim3A_55 {strides = array<i32>} : memref<256x128xf32, #tpu.memory_space<vmem>>, vector<16xf32>,
      %broadcast_in_dim3A_59 = arith.constant 0.000000e+00 : f32
      %broadcast_in_dim3A_60 = vector.broadcast %broadcast_in_dim3A_59 : f32 to vector<16xf32>
      %swap3A_61 = arith.index_cast %add3A_25 : i32 to index
      %swap3A_62 = arith.constant 112 : index
      %swap3A_63 = tpu.vector_load %arg6[%swap3A_61, %swap3A_62] {strides = array<i32>} : memref<256x128xf32, #tpu.memory_space<vmem>>, vector<16xf32>,
      tpu.vector_store %arg6[%swap3A_61, %swap3A_62], %broadcast_in_dim3A_60 {strides = array<i32>} : memref<256x128xf32, #tpu.memory_space<vmem>>, vector<16xf32>,
    }
    %scan3A_3 = arith.constant 80 : i32
    %scan3A_4 = arith.constant 0 : i32
    %scan3A_5 = arith.constant 8 : i32
    %scan3A_6 = arith.addi %scan3A_4, %scan3A_5 : i32
    %scan3A_7 = arith.constant 1 : i32
    scf.for %scan3A_21 = %scan3A_4 to %scan3A_6 step %scan3A_7  : i32 {
      %mul3A_22 = arith.constant 1 : i32
      %mul3A_23 = arith.muli %scan3A_21, %mul3A_22 : i32
      %add3A_24 = arith.constant 0 : i32
      %add3A_25 = arith.addi %add3A_24, %mul3A_23 : i32
      %mul3A_26 = arith.constant 16 : i32
      %mul3A_27 = arith.muli %add3A_25, %mul3A_26 : i32
      %add3A_28 = arith.addi %arg1, %mul3A_27 : i32
      %lt3A = arith.constant 125 : i32
      %lt3A_29 = arith.cmpi slt, %add3A_28, %lt3A : i32
      %convert_element_type3A = arith.extui %lt3A_29 : i1 to i32
      %cond3A = arith.constant 0 : i32
      %cond3A_30 = arith.cmpi ne, %convert_element_type3A, %cond3A : i32
      scf.if %cond3A_30 {
        %mul3A_31 = arith.constant 80 : i32
        %mul3A_32 = arith.muli %add3A_28, %mul3A_31 : i32
        "tpu.region"() ({
          %run_scoped3A = tpu.sem_alloc : memref<!tpu.dma_semaphore, #tpu.memory_space<semaphore_mem>>
          %dma_start3A = arith.constant 0 : i32
          %dma_start3A_33 = arith.constant 0 : i32
          %dma_start3A_34 = tpu.memref_slice %arg6[%dma_start3A, %dma_start3A_33] : memref<256x128xf32, #tpu.memory_space<vmem>> -> memref<80x128xf32, #tpu.memory_space<vmem>>
          %dma_start3A_35 = arith.constant 0 : i32
          %dma_start3A_36 = tpu.memref_slice %arg7[%mul3A_32, %dma_start3A_35] : memref<10000x128xf32, #tpu.memory_space<vmem_shared>> -> memref<80x128xf32, #tpu.memory_space<vmem_shared>>
          %dma_start3A_37 = arith.constant 0 : i32
          %dma_start3A_38 = tpu.memref_slice %arg7[%mul3A_32, %dma_start3A_37] : memref<10000x128xf32, #tpu.memory_space<vmem_shared>> -> memref<80x128xf32, #tpu.memory_space<vmem_shared>>
          %dma_start3A_39 = arith.constant 0 : i32
          %dma_start3A_40 = arith.constant 0 : i32
          %dma_start3A_41 = tpu.memref_slice %arg6[%dma_start3A_39, %dma_start3A_40] : memref<256x128xf32, #tpu.memory_space<vmem>> -> memref<80x128xf32, #tpu.memory_space<vmem>>
          tpu.enqueue_dma source(%dma_start3A_41 : memref<80x128xf32, #tpu.memory_space<vmem>>) target(%dma_start3A_38 : memref<80x128xf32, #tpu.memory_space<vmem_shared>>) target_semaphore(%run_scoped3A : memref<!tpu.dma_semaphore, #tpu.memory_space<semaphore_mem>>)
          %dma_wait3A = arith.constant 0 : i32
          %dma_wait3A_42 = arith.constant 0 : i32
          %dma_wait3A_43 = tpu.memref_slice %arg6[%dma_wait3A, %dma_wait3A_42] : memref<256x128xf32, #tpu.memory_space<vmem>> -> memref<80x128xf32, #tpu.memory_space<vmem>>
          %dma_wait3A_44 = arith.constant 0 : i32
          %dma_wait3A_45 = tpu.memref_slice %arg7[%mul3A_32, %dma_wait3A_44] : memref<10000x128xf32, #tpu.memory_space<vmem_shared>> -> memref<80x128xf32, #tpu.memory_space<vmem_shared>>
          %dma_wait3A_46 = arith.constant 0 : i32
          %dma_wait3A_47 = tpu.memref_slice %arg7[%mul3A_32, %dma_wait3A_46] : memref<10000x128xf32, #tpu.memory_space<vmem_shared>> -> memref<80x128xf32, #tpu.memory_space<vmem_shared>>
          %dma_wait3A_48 = arith.constant 0 : i32
          %dma_wait3A_49 = arith.constant 0 : i32
          %dma_wait3A_50 = tpu.memref_slice %arg6[%dma_wait3A_48, %dma_wait3A_49] : memref<256x128xf32, #tpu.memory_space<vmem>> -> memref<80x128xf32, #tpu.memory_space<vmem>>
          tpu.wait_dma2 semaphore(%run_scoped3A : memref<!tpu.dma_semaphore, #tpu.memory_space<semaphore_mem>>) src(%dma_wait3A_50 : memref<80x128xf32, #tpu.memory_space<vmem>>) dst(%dma_wait3A_47 : memref<80x128xf32, #tpu.memory_space<vmem_shared>>)
          tpu.yield
        }) : () -> ()
      } else {
      }
    }
    %scan3A_8 = arith.constant 8 : i32
    %barrier3A = arith.constant 0 : index
    tpu.barrier barrier_id(%barrier3A)
    %mul3A = arith.constant 2 : i32
    %mul3A_9 = arith.muli %arg1, %mul3A : i32
    %add3A = arith.addi %mul3A_9, %arg0 : i32
    %scan3A_10 = arith.constant 0 : i32
    %scan3A_11 = arith.constant 40 : i32
    %scan3A_12 = arith.addi %scan3A_10, %scan3A_11 : i32
    %scan3A_13 = arith.constant 1 : i32
    scf.for %scan3A_21 = %scan3A_10 to %scan3A_12 step %scan3A_13  : i32 {
      %mul3A_22 = arith.constant 1 : i32
      %mul3A_23 = arith.muli %scan3A_21, %mul3A_22 : i32
      %add3A_24 = arith.constant 0 : i32
      %add3A_25 = arith.addi %add3A_24, %mul3A_23 : i32
      %mul3A_26 = arith.constant 32 : i32
      %mul3A_27 = arith.muli %add3A_25, %mul3A_26 : i32
      %add3A_28 = arith.addi %add3A, %mul3A_27 : i32
      "tpu.region"() ({
        %run_scoped3A_73 = tpu.sem_alloc : memref<!tpu.dma_semaphore, #tpu.memory_space<semaphore_mem>>
        %dma_start3A_74 = arith.constant 0 : i32
        %dma_start3A_75 = arith.constant 0 : i32
        %dma_start3A_76 = tpu.memref_slice %arg3[%add3A_28, %dma_start3A_74, %dma_start3A_75] : memref<1280x8x128xi32, #tpu.memory_space<hbm>> -> memref<1x8x128xi32, #tpu.memory_space<hbm>>
        %dma_start3A_77 = tpu.memref_squeeze %dma_start3A_76 : memref<1x8x128xi32, #tpu.memory_space<hbm>> -> memref<8x128xi32, #tpu.memory_space<hbm>>
        %dma_start3A_78 = arith.constant 0 : i32
        %dma_start3A_79 = arith.constant 0 : i32
        %dma_start3A_80 = tpu.memref_slice %arg3[%add3A_28, %dma_start3A_78, %dma_start3A_79] : memref<1280x8x128xi32, #tpu.memory_space<hbm>> -> memref<1x8x128xi32, #tpu.memory_space<hbm>>
        %dma_start3A_81 = tpu.memref_squeeze %dma_start3A_80 : memref<1x8x128xi32, #tpu.memory_space<hbm>> -> memref<8x128xi32, #tpu.memory_space<hbm>>
        tpu.enqueue_dma source(%dma_start3A_81 : memref<8x128xi32, #tpu.memory_space<hbm>>) target(%arg5 : memref<8x128xi32, #tpu.memory_space<vmem>>) target_semaphore(%run_scoped3A_73 : memref<!tpu.dma_semaphore, #tpu.memory_space<semaphore_mem>>)
        %dma_wait3A_82 = arith.constant 0 : i32
        %dma_wait3A_83 = arith.constant 0 : i32
        %dma_wait3A_84 = tpu.memref_slice %arg3[%add3A_28, %dma_wait3A_82, %dma_wait3A_83] : memref<1280x8x128xi32, #tpu.memory_space<hbm>> -> memref<1x8x128xi32, #tpu.memory_space<hbm>>
        %dma_wait3A_85 = tpu.memref_squeeze %dma_wait3A_84 : memref<1x8x128xi32, #tpu.memory_space<hbm>> -> memref<8x128xi32, #tpu.memory_space<hbm>>
        %dma_wait3A_86 = arith.constant 0 : i32
        %dma_wait3A_87 = arith.constant 0 : i32
        %dma_wait3A_88 = tpu.memref_slice %arg3[%add3A_28, %dma_wait3A_86, %dma_wait3A_87] : memref<1280x8x128xi32, #tpu.memory_space<hbm>> -> memref<1x8x128xi32, #tpu.memory_space<hbm>>
        %dma_wait3A_89 = tpu.memref_squeeze %dma_wait3A_88 : memref<1x8x128xi32, #tpu.memory_space<hbm>> -> memref<8x128xi32, #tpu.memory_space<hbm>>
        tpu.wait_dma2 semaphore(%run_scoped3A_73 : memref<!tpu.dma_semaphore, #tpu.memory_space<semaphore_mem>>) src(%dma_wait3A_89 : memref<8x128xi32, #tpu.memory_space<hbm>>) dst(%arg5 : memref<8x128xi32, #tpu.memory_space<vmem>>)
        tpu.yield
      }) : () -> ()
      %dma_start3A = arith.constant 0 : i32
      %dma_start3A_29 = arith.constant 0 : i32
      %dma_start3A_30 = arith.constant 0 : i32
      %dma_start3A_31 = tpu.memref_slice %arg6[%dma_start3A_29, %dma_start3A_30] : memref<256x128xf32, #tpu.memory_space<vmem>> -> memref<128x128xf32, #tpu.memory_space<vmem>>
      %dma_start3A_32 = arith.constant 0 : i32
      %dma_start3A_33 = tpu.memref_slice %arg5[%dma_start3A, %dma_start3A_32] : memref<8x128xi32, #tpu.memory_space<vmem>> -> memref<1x128xi32, #tpu.memory_space<vmem>>
      %dma_start3A_34 = tpu.memref_squeeze %dma_start3A_33 : memref<1x128xi32, #tpu.memory_space<vmem>> -> memref<128xi32, #tpu.memory_space<vmem>>
      %dma_start3A_35 = arith.constant 0 : i32
      %dma_start3A_36 = arith.constant 0 : i32
      %dma_start3A_37 = tpu.memref_slice %arg2[%dma_start3A_35, %dma_start3A_36] : memref<10000x128xf32, #tpu.memory_space<hbm>> -> memref<10000x128xf32, #tpu.memory_space<hbm>>
      tpu.enqueue_indirect_dma source(%dma_start3A_37 : memref<10000x128xf32, #tpu.memory_space<hbm>>) target(%dma_start3A_31 : memref<128x128xf32, #tpu.memory_space<vmem>>) offsets(%dma_start3A_34 : memref<128xi32, #tpu.memory_space<vmem>>) semaphore(%arg8 : memref<!tpu.dma_semaphore, #tpu.memory_space<semaphore_mem>>)
      %dma_start3A_38 = arith.constant 1 : i32
      %dma_start3A_39 = arith.constant 128 : i32
      %dma_start3A_40 = arith.constant 0 : i32
      %dma_start3A_41 = tpu.memref_slice %arg6[%dma_start3A_39, %dma_start3A_40] : memref<256x128xf32, #tpu.memory_space<vmem>> -> memref<128x128xf32, #tpu.memory_space<vmem>>
      %dma_start3A_42 = arith.constant 0 : i32
      %dma_start3A_43 = tpu.memref_slice %arg5[%dma_start3A_38, %dma_start3A_42] : memref<8x128xi32, #tpu.memory_space<vmem>> -> memref<1x128xi32, #tpu.memory_space<vmem>>
      %dma_start3A_44 = tpu.memref_squeeze %dma_start3A_43 : memref<1x128xi32, #tpu.memory_space<vmem>> -> memref<128xi32, #tpu.memory_space<vmem>>
      %dma_start3A_45 = arith.constant 0 : i32
      %dma_start3A_46 = arith.constant 0 : i32
      %dma_start3A_47 = tpu.memref_slice %arg2[%dma_start3A_45, %dma_start3A_46] : memref<10000x128xf32, #tpu.memory_space<hbm>> -> memref<10000x128xf32, #tpu.memory_space<hbm>>
      tpu.enqueue_indirect_dma source(%dma_start3A_47 : memref<10000x128xf32, #tpu.memory_space<hbm>>) target(%dma_start3A_41 : memref<128x128xf32, #tpu.memory_space<vmem>>) offsets(%dma_start3A_44 : memref<128xi32, #tpu.memory_space<vmem>>) semaphore(%arg8 : memref<!tpu.dma_semaphore, #tpu.memory_space<semaphore_mem>>)
      %dma_wait3A = arith.constant 0 : i32
      %dma_wait3A_48 = arith.constant 0 : i32
      %dma_wait3A_49 = arith.constant 0 : i32
      %dma_wait3A_50 = tpu.memref_slice %arg6[%dma_wait3A_48, %dma_wait3A_49] : memref<256x128xf32, #tpu.memory_space<vmem>> -> memref<128x128xf32, #tpu.memory_space<vmem>>
      %dma_wait3A_51 = arith.constant 0 : i32
      %dma_wait3A_52 = tpu.memref_slice %arg5[%dma_wait3A, %dma_wait3A_51] : memref<8x128xi32, #tpu.memory_space<vmem>> -> memref<1x128xi32, #tpu.memory_space<vmem>>
      %dma_wait3A_53 = tpu.memref_squeeze %dma_wait3A_52 : memref<1x128xi32, #tpu.memory_space<vmem>> -> memref<128xi32, #tpu.memory_space<vmem>>
      %dma_wait3A_54 = arith.constant 0 : i32
      %dma_wait3A_55 = arith.constant 0 : i32
      %dma_wait3A_56 = tpu.memref_slice %arg2[%dma_wait3A_54, %dma_wait3A_55] : memref<10000x128xf32, #tpu.memory_space<hbm>> -> memref<10000x128xf32, #tpu.memory_space<hbm>>
      tpu.wait_indirect_dma semaphore(%arg8 : memref<!tpu.dma_semaphore, #tpu.memory_space<semaphore_mem>>) src(%dma_wait3A_56 : memref<10000x128xf32, #tpu.memory_space<hbm>>) dst(%dma_wait3A_50 : memref<128x128xf32, #tpu.memory_space<vmem>>)
      %dma_wait3A_57 = arith.constant 1 : i32
      %dma_wait3A_58 = arith.constant 128 : i32
      %dma_wait3A_59 = arith.constant 0 : i32
      %dma_wait3A_60 = tpu.memref_slice %arg6[%dma_wait3A_58, %dma_wait3A_59] : memref<256x128xf32, #tpu.memory_space<vmem>> -> memref<128x128xf32, #tpu.memory_space<vmem>>
      %dma_wait3A_61 = arith.constant 0 : i32
      %dma_wait3A_62 = tpu.memref_slice %arg5[%dma_wait3A_57, %dma_wait3A_61] : memref<8x128xi32, #tpu.memory_space<vmem>> -> memref<1x128xi32, #tpu.memory_space<vmem>>
      %dma_wait3A_63 = tpu.memref_squeeze %dma_wait3A_62 : memref<1x128xi32, #tpu.memory_space<vmem>> -> memref<128xi32, #tpu.memory_space<vmem>>
      %dma_wait3A_64 = arith.constant 0 : i32
      %dma_wait3A_65 = arith.constant 0 : i32
      %dma_wait3A_66 = tpu.memref_slice %arg2[%dma_wait3A_64, %dma_wait3A_65] : memref<10000x128xf32, #tpu.memory_space<hbm>> -> memref<10000x128xf32, #tpu.memory_space<hbm>>
      tpu.wait_indirect_dma semaphore(%arg8 : memref<!tpu.dma_semaphore, #tpu.memory_space<semaphore_mem>>) src(%dma_wait3A_66 : memref<10000x128xf32, #tpu.memory_space<hbm>>) dst(%dma_wait3A_60 : memref<128x128xf32, #tpu.memory_space<vmem>>)
      %scan3A_67 = arith.constant 0 : i32
      %scan3A_68 = arith.constant 16 : i32
      %scan3A_69 = arith.addi %scan3A_67, %scan3A_68 : i32
      %scan3A_70 = arith.constant 1 : i32
      scf.for %scan3A_73 = %scan3A_67 to %scan3A_69 step %scan3A_70  : i32 {
        %mul3A_74 = arith.constant 1 : i32
        %mul3A_75 = arith.muli %scan3A_73, %mul3A_74 : i32
        %add3A_76 = arith.constant 0 : i32
        %add3A_77 = arith.addi %add3A_76, %mul3A_75 : i32
        %jit3A = arith.constant 8 : i32
        %div3A = arith.divsi %add3A_77, %jit3A : i32
        %sign3A = arith.constant 0 : i32
        %sign3A_78 = arith.cmpi sgt, %add3A_77, %sign3A : i32
        %sign3A_79 = arith.extui %sign3A_78 : i1 to i32
        %sign3A_80 = arith.constant 0 : i32
        %sign3A_81 = arith.cmpi slt, %add3A_77, %sign3A_80 : i32
        %sign3A_82 = arith.extui %sign3A_81 : i1 to i32
        %sign3A_83 = arith.subi %sign3A_79, %sign3A_82 : i32
        %sign3A_84 = arith.constant 0 : i32
        %sign3A_85 = arith.cmpi sgt, %jit3A, %sign3A_84 : i32
        %sign3A_86 = arith.extui %sign3A_85 : i1 to i32
        %sign3A_87 = arith.constant 0 : i32
        %sign3A_88 = arith.cmpi slt, %jit3A, %sign3A_87 : i32
        %sign3A_89 = arith.extui %sign3A_88 : i1 to i32
        %sign3A_90 = arith.subi %sign3A_86, %sign3A_89 : i32
        %ne3A = arith.cmpi ne, %sign3A_83, %sign3A_90 : i32
        %rem3A = arith.remsi %add3A_77, %jit3A : i32
        %ne3A_91 = arith.constant 0 : i32
        %ne3A_92 = arith.cmpi ne, %rem3A, %ne3A_91 : i32
        %and3A = arith.andi %ne3A, %ne3A_92 : i1
        %sub3A = arith.constant 1 : i32
        %sub3A_93 = arith.subi %div3A, %sub3A : i32
        %select_n3A = arith.select %and3A, %sub3A_93, %div3A : i32
        %add3A_94 = arith.constant 4 : i32
        %add3A_95 = arith.addi %add3A_94, %select_n3A : i32
        %jit3A_96 = arith.constant 8 : i32
        %eq3A = arith.constant 0 : i32
        %eq3A_97 = arith.cmpi eq, %jit3A_96, %eq3A : i32
        %jit3A_98 = arith.constant 1 : i32
        %select_n3A_99 = arith.select %eq3A_97, %jit3A_98, %jit3A_96 : i32
        %rem3A_100 = arith.remsi %add3A_77, %select_n3A_99 : i32
        %ne3A_101 = arith.constant 0 : i32
        %ne3A_102 = arith.cmpi ne, %rem3A_100, %ne3A_101 : i32
        %lt3A = arith.constant 0 : i32
        %lt3A_103 = arith.cmpi slt, %rem3A_100, %lt3A : i32
        %lt3A_104 = arith.constant 0 : i32
        %lt3A_105 = arith.cmpi slt, %select_n3A_99, %lt3A_104 : i32
        %ne3A_106 = arith.xori %lt3A_103, %lt3A_105 : i1
        %and3A_107 = arith.andi %ne3A_106, %ne3A_102 : i1
        %add3A_108 = arith.addi %rem3A_100, %select_n3A_99 : i32
        %select_n3A_109 = arith.select %and3A_107, %add3A_108, %rem3A_100 : i32
        %mul3A_110 = arith.constant 16 : i32
        %mul3A_111 = arith.muli %select_n3A_109, %mul3A_110 : i32
        %broadcast_in_dim3A = vector.broadcast %add3A_95 : i32 to vector<16xi32>
        %add3A_112 = arith.constant 0 : i32
        %add3A_113 = arith.addi %mul3A_111, %add3A_112 : i32
        %broadcast_in_dim3A_114 = vector.broadcast %add3A_113 : i32 to vector<16xi32>
        %gather3A = tpu.vector_load_idx %arg5[%broadcast_in_dim3A, %broadcast_in_dim3A_114] : memref<8x128xi32, #tpu.memory_space<vmem>>[vector<16xi32>, vector<16xi32>], vector<16xi32>,
        %bitcast3A = vector.bitcast %gather3A : vector<16xi32> to vector<16xf32>
        %mul3A_115 = arith.constant 16 : i32
        %mul3A_116 = arith.muli %add3A_77, %mul3A_115 : i32
        %add3A_117 = arith.constant 0 : i32
        %add3A_118 = arith.addi %mul3A_116, %add3A_117 : i32
        %get3A = arith.index_cast %add3A_118 : i32 to index
        %get3A_119 = arith.constant 0 : index
        %get3A_120 = tpu.vector_load %arg6[%get3A, %get3A_119] {strides = array<i32>} : memref<256x128xf32, #tpu.memory_space<vmem>>, vector<16xf32>,
        %mul3A_121 = arith.mulf %get3A_120, %bitcast3A : vector<16xf32>
        %swap3A = arith.index_cast %add3A_118 : i32 to index
        %swap3A_122 = arith.constant 0 : index
        %swap3A_123 = tpu.vector_load %arg6[%swap3A, %swap3A_122] {strides = array<i32>} : memref<256x128xf32, #tpu.memory_space<vmem>>, vector<16xf32>,
        tpu.vector_store %arg6[%swap3A, %swap3A_122], %mul3A_121 {strides = array<i32>} : memref<256x128xf32, #tpu.memory_space<vmem>>, vector<16xf32>,
        %get3A_124 = arith.index_cast %add3A_118 : i32 to index
        %get3A_125 = arith.constant 16 : index
        %get3A_126 = tpu.vector_load %arg6[%get3A_124, %get3A_125] {strides = array<i32>} : memref<256x128xf32, #tpu.memory_space<vmem>>, vector<16xf32>,
        %mul3A_127 = arith.mulf %get3A_126, %bitcast3A : vector<16xf32>
        %swap3A_128 = arith.index_cast %add3A_118 : i32 to index
        %swap3A_129 = arith.constant 16 : index
        %swap3A_130 = tpu.vector_load %arg6[%swap3A_128, %swap3A_129] {strides = array<i32>} : memref<256x128xf32, #tpu.memory_space<vmem>>, vector<16xf32>,
        tpu.vector_store %arg6[%swap3A_128, %swap3A_129], %mul3A_127 {strides = array<i32>} : memref<256x128xf32, #tpu.memory_space<vmem>>, vector<16xf32>,
        %get3A_131 = arith.index_cast %add3A_118 : i32 to index
        %get3A_132 = arith.constant 32 : index
        %get3A_133 = tpu.vector_load %arg6[%get3A_131, %get3A_132] {strides = array<i32>} : memref<256x128xf32, #tpu.memory_space<vmem>>, vector<16xf32>,
        %mul3A_134 = arith.mulf %get3A_133, %bitcast3A : vector<16xf32>
        %swap3A_135 = arith.index_cast %add3A_118 : i32 to index
        %swap3A_136 = arith.constant 32 : index
        %swap3A_137 = tpu.vector_load %arg6[%swap3A_135, %swap3A_136] {strides = array<i32>} : memref<256x128xf32, #tpu.memory_space<vmem>>, vector<16xf32>,
        tpu.vector_store %arg6[%swap3A_135, %swap3A_136], %mul3A_134 {strides = array<i32>} : memref<256x128xf32, #tpu.memory_space<vmem>>, vector<16xf32>,
        %get3A_138 = arith.index_cast %add3A_118 : i32 to index
        %get3A_139 = arith.constant 48 : index
        %get3A_140 = tpu.vector_load %arg6[%get3A_138, %get3A_139] {strides = array<i32>} : memref<256x128xf32, #tpu.memory_space<vmem>>, vector<16xf32>,
        %mul3A_141 = arith.mulf %get3A_140, %bitcast3A : vector<16xf32>
        %swap3A_142 = arith.index_cast %add3A_118 : i32 to index
        %swap3A_143 = arith.constant 48 : index
        %swap3A_144 = tpu.vector_load %arg6[%swap3A_142, %swap3A_143] {strides = array<i32>} : memref<256x128xf32, #tpu.memory_space<vmem>>, vector<16xf32>,
        tpu.vector_store %arg6[%swap3A_142, %swap3A_143], %mul3A_141 {strides = array<i32>} : memref<256x128xf32, #tpu.memory_space<vmem>>, vector<16xf32>,
        %get3A_145 = arith.index_cast %add3A_118 : i32 to index
        %get3A_146 = arith.constant 64 : index
        %get3A_147 = tpu.vector_load %arg6[%get3A_145, %get3A_146] {strides = array<i32>} : memref<256x128xf32, #tpu.memory_space<vmem>>, vector<16xf32>,
        %mul3A_148 = arith.mulf %get3A_147, %bitcast3A : vector<16xf32>
        %swap3A_149 = arith.index_cast %add3A_118 : i32 to index
        %swap3A_150 = arith.constant 64 : index
        %swap3A_151 = tpu.vector_load %arg6[%swap3A_149, %swap3A_150] {strides = array<i32>} : memref<256x128xf32, #tpu.memory_space<vmem>>, vector<16xf32>,
        tpu.vector_store %arg6[%swap3A_149, %swap3A_150], %mul3A_148 {strides = array<i32>} : memref<256x128xf32, #tpu.memory_space<vmem>>, vector<16xf32>,
        %get3A_152 = arith.index_cast %add3A_118 : i32 to index
        %get3A_153 = arith.constant 80 : index
        %get3A_154 = tpu.vector_load %arg6[%get3A_152, %get3A_153] {strides = array<i32>} : memref<256x128xf32, #tpu.memory_space<vmem>>, vector<16xf32>,
        %mul3A_155 = arith.mulf %get3A_154, %bitcast3A : vector<16xf32>
        %swap3A_156 = arith.index_cast %add3A_118 : i32 to index
        %swap3A_157 = arith.constant 80 : index
        %swap3A_158 = tpu.vector_load %arg6[%swap3A_156, %swap3A_157] {strides = array<i32>} : memref<256x128xf32, #tpu.memory_space<vmem>>, vector<16xf32>,
        tpu.vector_store %arg6[%swap3A_156, %swap3A_157], %mul3A_155 {strides = array<i32>} : memref<256x128xf32, #tpu.memory_space<vmem>>, vector<16xf32>,
        %get3A_159 = arith.index_cast %add3A_118 : i32 to index
        %get3A_160 = arith.constant 96 : index
        %get3A_161 = tpu.vector_load %arg6[%get3A_159, %get3A_160] {strides = array<i32>} : memref<256x128xf32, #tpu.memory_space<vmem>>, vector<16xf32>,
        %mul3A_162 = arith.mulf %get3A_161, %bitcast3A : vector<16xf32>
        %swap3A_163 = arith.index_cast %add3A_118 : i32 to index
        %swap3A_164 = arith.constant 96 : index
        %swap3A_165 = tpu.vector_load %arg6[%swap3A_163, %swap3A_164] {strides = array<i32>} : memref<256x128xf32, #tpu.memory_space<vmem>>, vector<16xf32>,
        tpu.vector_store %arg6[%swap3A_163, %swap3A_164], %mul3A_162 {strides = array<i32>} : memref<256x128xf32, #tpu.memory_space<vmem>>, vector<16xf32>,
        %get3A_166 = arith.index_cast %add3A_118 : i32 to index
        %get3A_167 = arith.constant 112 : index
        %get3A_168 = tpu.vector_load %arg6[%get3A_166, %get3A_167] {strides = array<i32>} : memref<256x128xf32, #tpu.memory_space<vmem>>, vector<16xf32>,
        %mul3A_169 = arith.mulf %get3A_168, %bitcast3A : vector<16xf32>
        %swap3A_170 = arith.index_cast %add3A_118 : i32 to index
        %swap3A_171 = arith.constant 112 : index
        %swap3A_172 = tpu.vector_load %arg6[%swap3A_170, %swap3A_171] {strides = array<i32>} : memref<256x128xf32, #tpu.memory_space<vmem>>, vector<16xf32>,
        tpu.vector_store %arg6[%swap3A_170, %swap3A_171], %mul3A_169 {strides = array<i32>} : memref<256x128xf32, #tpu.memory_space<vmem>>, vector<16xf32>,
        %broadcast_in_dim3A_173 = vector.broadcast %add3A_95 : i32 to vector<16xi32>
        %add3A_174 = arith.constant 1 : i32
        %add3A_175 = arith.addi %mul3A_111, %add3A_174 : i32
        %broadcast_in_dim3A_176 = vector.broadcast %add3A_175 : i32 to vector<16xi32>
        %gather3A_177 = tpu.vector_load_idx %arg5[%broadcast_in_dim3A_173, %broadcast_in_dim3A_176] : memref<8x128xi32, #tpu.memory_space<vmem>>[vector<16xi32>, vector<16xi32>], vector<16xi32>,
        %bitcast3A_178 = vector.bitcast %gather3A_177 : vector<16xi32> to vector<16xf32>
        %mul3A_179 = arith.constant 16 : i32
        %mul3A_180 = arith.muli %add3A_77, %mul3A_179 : i32
        %add3A_181 = arith.constant 1 : i32
        %add3A_182 = arith.addi %mul3A_180, %add3A_181 : i32
        %get3A_183 = arith.index_cast %add3A_182 : i32 to index
        %get3A_184 = arith.constant 0 : index
        %get3A_185 = tpu.vector_load %arg6[%get3A_183, %get3A_184] {strides = array<i32>} : memref<256x128xf32, #tpu.memory_space<vmem>>, vector<16xf32>,
        %mul3A_186 = arith.mulf %get3A_185, %bitcast3A_178 : vector<16xf32>
        %swap3A_187 = arith.index_cast %add3A_182 : i32 to index
        %swap3A_188 = arith.constant 0 : index
        %swap3A_189 = tpu.vector_load %arg6[%swap3A_187, %swap3A_188] {strides = array<i32>} : memref<256x128xf32, #tpu.memory_space<vmem>>, vector<16xf32>,
        tpu.vector_store %arg6[%swap3A_187, %swap3A_188], %mul3A_186 {strides = array<i32>} : memref<256x128xf32, #tpu.memory_space<vmem>>, vector<16xf32>,
        %get3A_190 = arith.index_cast %add3A_182 : i32 to index
        %get3A_191 = arith.constant 16 : index
        %get3A_192 = tpu.vector_load %arg6[%get3A_190, %get3A_191] {strides = array<i32>} : memref<256x128xf32, #tpu.memory_space<vmem>>, vector<16xf32>,
        %mul3A_193 = arith.mulf %get3A_192, %bitcast3A_178 : vector<16xf32>
        %swap3A_194 = arith.index_cast %add3A_182 : i32 to index
        %swap3A_195 = arith.constant 16 : index
        %swap3A_196 = tpu.vector_load %arg6[%swap3A_194, %swap3A_195] {strides = array<i32>} : memref<256x128xf32, #tpu.memory_space<vmem>>, vector<16xf32>,
        tpu.vector_store %arg6[%swap3A_194, %swap3A_195], %mul3A_193 {strides = array<i32>} : memref<256x128xf32, #tpu.memory_space<vmem>>, vector<16xf32>,
        %get3A_197 = arith.index_cast %add3A_182 : i32 to index
        %get3A_198 = arith.constant 32 : index
        %get3A_199 = tpu.vector_load %arg6[%get3A_197, %get3A_198] {strides = array<i32>} : memref<256x128xf32, #tpu.memory_space<vmem>>, vector<16xf32>,
        %mul3A_200 = arith.mulf %get3A_199, %bitcast3A_178 : vector<16xf32>
        %swap3A_201 = arith.index_cast %add3A_182 : i32 to index
        %swap3A_202 = arith.constant 32 : index
        %swap3A_203 = tpu.vector_load %arg6[%swap3A_201, %swap3A_202] {strides = array<i32>} : memref<256x128xf32, #tpu.memory_space<vmem>>, vector<16xf32>,
        tpu.vector_store %arg6[%swap3A_201, %swap3A_202], %mul3A_200 {strides = array<i32>} : memref<256x128xf32, #tpu.memory_space<vmem>>, vector<16xf32>,
        %get3A_204 = arith.index_cast %add3A_182 : i32 to index
        %get3A_205 = arith.constant 48 : index
        %get3A_206 = tpu.vector_load %arg6[%get3A_204, %get3A_205] {strides = array<i32>} : memref<256x128xf32, #tpu.memory_space<vmem>>, vector<16xf32>,
        %mul3A_207 = arith.mulf %get3A_206, %bitcast3A_178 : vector<16xf32>
        %swap3A_208 = arith.index_cast %add3A_182 : i32 to index
        %swap3A_209 = arith.constant 48 : index
        %swap3A_210 = tpu.vector_load %arg6[%swap3A_208, %swap3A_209] {strides = array<i32>} : memref<256x128xf32, #tpu.memory_space<vmem>>, vector<16xf32>,
        tpu.vector_store %arg6[%swap3A_208, %swap3A_209], %mul3A_207 {strides = array<i32>} : memref<256x128xf32, #tpu.memory_space<vmem>>, vector<16xf32>,
        %get3A_211 = arith.index_cast %add3A_182 : i32 to index
        %get3A_212 = arith.constant 64 : index
        %get3A_213 = tpu.vector_load %arg6[%get3A_211, %get3A_212] {strides = array<i32>} : memref<256x128xf32, #tpu.memory_space<vmem>>, vector<16xf32>,
        %mul3A_214 = arith.mulf %get3A_213, %bitcast3A_178 : vector<16xf32>
        %swap3A_215 = arith.index_cast %add3A_182 : i32 to index
        %swap3A_216 = arith.constant 64 : index
        %swap3A_217 = tpu.vector_load %arg6[%swap3A_215, %swap3A_216] {strides = array<i32>} : memref<256x128xf32, #tpu.memory_space<vmem>>, vector<16xf32>,
        tpu.vector_store %arg6[%swap3A_215, %swap3A_216], %mul3A_214 {strides = array<i32>} : memref<256x128xf32, #tpu.memory_space<vmem>>, vector<16xf32>,
        %get3A_218 = arith.index_cast %add3A_182 : i32 to index
        %get3A_219 = arith.constant 80 : index
        %get3A_220 = tpu.vector_load %arg6[%get3A_218, %get3A_219] {strides = array<i32>} : memref<256x128xf32, #tpu.memory_space<vmem>>, vector<16xf32>,
        %mul3A_221 = arith.mulf %get3A_220, %bitcast3A_178 : vector<16xf32>
        %swap3A_222 = arith.index_cast %add3A_182 : i32 to index
        %swap3A_223 = arith.constant 80 : index
        %swap3A_224 = tpu.vector_load %arg6[%swap3A_222, %swap3A_223] {strides = array<i32>} : memref<256x128xf32, #tpu.memory_space<vmem>>, vector<16xf32>,
        tpu.vector_store %arg6[%swap3A_222, %swap3A_223], %mul3A_221 {strides = array<i32>} : memref<256x128xf32, #tpu.memory_space<vmem>>, vector<16xf32>,
        %get3A_225 = arith.index_cast %add3A_182 : i32 to index
        %get3A_226 = arith.constant 96 : index
        %get3A_227 = tpu.vector_load %arg6[%get3A_225, %get3A_226] {strides = array<i32>} : memref<256x128xf32, #tpu.memory_space<vmem>>, vector<16xf32>,
        %mul3A_228 = arith.mulf %get3A_227, %bitcast3A_178 : vector<16xf32>
        %swap3A_229 = arith.index_cast %add3A_182 : i32 to index
        %swap3A_230 = arith.constant 96 : index
        %swap3A_231 = tpu.vector_load %arg6[%swap3A_229, %swap3A_230] {strides = array<i32>} : memref<256x128xf32, #tpu.memory_space<vmem>>, vector<16xf32>,
        tpu.vector_store %arg6[%swap3A_229, %swap3A_230], %mul3A_228 {strides = array<i32>} : memref<256x128xf32, #tpu.memory_space<vmem>>, vector<16xf32>,
        %get3A_232 = arith.index_cast %add3A_182 : i32 to index
        %get3A_233 = arith.constant 112 : index
        %get3A_234 = tpu.vector_load %arg6[%get3A_232, %get3A_233] {strides = array<i32>} : memref<256x128xf32, #tpu.memory_space<vmem>>, vector<16xf32>,
        %mul3A_235 = arith.mulf %get3A_234, %bitcast3A_178 : vector<16xf32>
        %swap3A_236 = arith.index_cast %add3A_182 : i32 to index
        %swap3A_237 = arith.constant 112 : index
        %swap3A_238 = tpu.vector_load %arg6[%swap3A_236, %swap3A_237] {strides = array<i32>} : memref<256x128xf32, #tpu.memory_space<vmem>>, vector<16xf32>,
        tpu.vector_store %arg6[%swap3A_236, %swap3A_237], %mul3A_235 {strides = array<i32>} : memref<256x128xf32, #tpu.memory_space<vmem>>, vector<16xf32>,
        %broadcast_in_dim3A_239 = vector.broadcast %add3A_95 : i32 to vector<16xi32>
        %add3A_240 = arith.constant 2 : i32
        %add3A_241 = arith.addi %mul3A_111, %add3A_240 : i32
        %broadcast_in_dim3A_242 = vector.broadcast %add3A_241 : i32 to vector<16xi32>
        %gather3A_243 = tpu.vector_load_idx %arg5[%broadcast_in_dim3A_239, %broadcast_in_dim3A_242] : memref<8x128xi32, #tpu.memory_space<vmem>>[vector<16xi32>, vector<16xi32>], vector<16xi32>,
        %bitcast3A_244 = vector.bitcast %gather3A_243 : vector<16xi32> to vector<16xf32>
        %mul3A_245 = arith.constant 16 : i32
        %mul3A_246 = arith.muli %add3A_77, %mul3A_245 : i32
        %add3A_247 = arith.constant 2 : i32
        %add3A_248 = arith.addi %mul3A_246, %add3A_247 : i32
        %get3A_249 = arith.index_cast %add3A_248 : i32 to index
        %get3A_250 = arith.constant 0 : index
        %get3A_251 = tpu.vector_load %arg6[%get3A_249, %get3A_250] {strides = array<i32>} : memref<256x128xf32, #tpu.memory_space<vmem>>, vector<16xf32>,
        %mul3A_252 = arith.mulf %get3A_251, %bitcast3A_244 : vector<16xf32>
        %swap3A_253 = arith.index_cast %add3A_248 : i32 to index
        %swap3A_254 = arith.constant 0 : index
        %swap3A_255 = tpu.vector_load %arg6[%swap3A_253, %swap3A_254] {strides = array<i32>} : memref<256x128xf32, #tpu.memory_space<vmem>>, vector<16xf32>,
        tpu.vector_store %arg6[%swap3A_253, %swap3A_254], %mul3A_252 {strides = array<i32>} : memref<256x128xf32, #tpu.memory_space<vmem>>, vector<16xf32>,
        %get3A_256 = arith.index_cast %add3A_248 : i32 to index
        %get3A_257 = arith.constant 16 : index
        %get3A_258 = tpu.vector_load %arg6[%get3A_256, %get3A_257] {strides = array<i32>} : memref<256x128xf32, #tpu.memory_space<vmem>>, vector<16xf32>,
        %mul3A_259 = arith.mulf %get3A_258, %bitcast3A_244 : vector<16xf32>
        %swap3A_260 = arith.index_cast %add3A_248 : i32 to index
        %swap3A_261 = arith.constant 16 : index
        %swap3A_262 = tpu.vector_load %arg6[%swap3A_260, %swap3A_261] {strides = array<i32>} : memref<256x128xf32, #tpu.memory_space<vmem>>, vector<16xf32>,
        tpu.vector_store %arg6[%swap3A_260, %swap3A_261], %mul3A_259 {strides = array<i32>} : memref<256x128xf32, #tpu.memory_space<vmem>>, vector<16xf32>,
        %get3A_263 = arith.index_cast %add3A_248 : i32 to index
        %get3A_264 = arith.constant 32 : index
        %get3A_265 = tpu.vector_load %arg6[%get3A_263, %get3A_264] {strides = array<i32>} : memref<256x128xf32, #tpu.memory_space<vmem>>, vector<16xf32>,
        %mul3A_266 = arith.mulf %get3A_265, %bitcast3A_244 : vector<16xf32>
        %swap3A_267 = arith.index_cast %add3A_248 : i32 to index
        %swap3A_268 = arith.constant 32 : index
        %swap3A_269 = tpu.vector_load %arg6[%swap3A_267, %swap3A_268] {strides = array<i32>} : memref<256x128xf32, #tpu.memory_space<vmem>>, vector<16xf32>,
        tpu.vector_store %arg6[%swap3A_267, %swap3A_268], %mul3A_266 {strides = array<i32>} : memref<256x128xf32, #tpu.memory_space<vmem>>, vector<16xf32>,
        %get3A_270 = arith.index_cast %add3A_248 : i32 to index
        %get3A_271 = arith.constant 48 : index
        %get3A_272 = tpu.vector_load %arg6[%get3A_270, %get3A_271] {strides = array<i32>} : memref<256x128xf32, #tpu.memory_space<vmem>>, vector<16xf32>,
        %mul3A_273 = arith.mulf %get3A_272, %bitcast3A_244 : vector<16xf32>
        %swap3A_274 = arith.index_cast %add3A_248 : i32 to index
        %swap3A_275 = arith.constant 48 : index
        %swap3A_276 = tpu.vector_load %arg6[%swap3A_274, %swap3A_275] {strides = array<i32>} : memref<256x128xf32, #tpu.memory_space<vmem>>, vector<16xf32>,
        tpu.vector_store %arg6[%swap3A_274, %swap3A_275], %mul3A_273 {strides = array<i32>} : memref<256x128xf32, #tpu.memory_space<vmem>>, vector<16xf32>,
        %get3A_277 = arith.index_cast %add3A_248 : i32 to index
        %get3A_278 = arith.constant 64 : index
        %get3A_279 = tpu.vector_load %arg6[%get3A_277, %get3A_278] {strides = array<i32>} : memref<256x128xf32, #tpu.memory_space<vmem>>, vector<16xf32>,
        %mul3A_280 = arith.mulf %get3A_279, %bitcast3A_244 : vector<16xf32>
        %swap3A_281 = arith.index_cast %add3A_248 : i32 to index
        %swap3A_282 = arith.constant 64 : index
        %swap3A_283 = tpu.vector_load %arg6[%swap3A_281, %swap3A_282] {strides = array<i32>} : memref<256x128xf32, #tpu.memory_space<vmem>>, vector<16xf32>,
        tpu.vector_store %arg6[%swap3A_281, %swap3A_282], %mul3A_280 {strides = array<i32>} : memref<256x128xf32, #tpu.memory_space<vmem>>, vector<16xf32>,
        %get3A_284 = arith.index_cast %add3A_248 : i32 to index
        %get3A_285 = arith.constant 80 : index
        %get3A_286 = tpu.vector_load %arg6[%get3A_284, %get3A_285] {strides = array<i32>} : memref<256x128xf32, #tpu.memory_space<vmem>>, vector<16xf32>,
        %mul3A_287 = arith.mulf %get3A_286, %bitcast3A_244 : vector<16xf32>
        %swap3A_288 = arith.index_cast %add3A_248 : i32 to index
        %swap3A_289 = arith.constant 80 : index
        %swap3A_290 = tpu.vector_load %arg6[%swap3A_288, %swap3A_289] {strides = array<i32>} : memref<256x128xf32, #tpu.memory_space<vmem>>, vector<16xf32>,
        tpu.vector_store %arg6[%swap3A_288, %swap3A_289], %mul3A_287 {strides = array<i32>} : memref<256x128xf32, #tpu.memory_space<vmem>>, vector<16xf32>,
        %get3A_291 = arith.index_cast %add3A_248 : i32 to index
        %get3A_292 = arith.constant 96 : index
        %get3A_293 = tpu.vector_load %arg6[%get3A_291, %get3A_292] {strides = array<i32>} : memref<256x128xf32, #tpu.memory_space<vmem>>, vector<16xf32>,
        %mul3A_294 = arith.mulf %get3A_293, %bitcast3A_244 : vector<16xf32>
        %swap3A_295 = arith.index_cast %add3A_248 : i32 to index
        %swap3A_296 = arith.constant 96 : index
        %swap3A_297 = tpu.vector_load %arg6[%swap3A_295, %swap3A_296] {strides = array<i32>} : memref<256x128xf32, #tpu.memory_space<vmem>>, vector<16xf32>,
        tpu.vector_store %arg6[%swap3A_295, %swap3A_296], %mul3A_294 {strides = array<i32>} : memref<256x128xf32, #tpu.memory_space<vmem>>, vector<16xf32>,
        %get3A_298 = arith.index_cast %add3A_248 : i32 to index
        %get3A_299 = arith.constant 112 : index
        %get3A_300 = tpu.vector_load %arg6[%get3A_298, %get3A_299] {strides = array<i32>} : memref<256x128xf32, #tpu.memory_space<vmem>>, vector<16xf32>,
        %mul3A_301 = arith.mulf %get3A_300, %bitcast3A_244 : vector<16xf32>
        %swap3A_302 = arith.index_cast %add3A_248 : i32 to index
        %swap3A_303 = arith.constant 112 : index
        %swap3A_304 = tpu.vector_load %arg6[%swap3A_302, %swap3A_303] {strides = array<i32>} : memref<256x128xf32, #tpu.memory_space<vmem>>, vector<16xf32>,
        tpu.vector_store %arg6[%swap3A_302, %swap3A_303], %mul3A_301 {strides = array<i32>} : memref<256x128xf32, #tpu.memory_space<vmem>>, vector<16xf32>,
        %broadcast_in_dim3A_305 = vector.broadcast %add3A_95 : i32 to vector<16xi32>
        %add3A_306 = arith.constant 3 : i32
        %add3A_307 = arith.addi %mul3A_111, %add3A_306 : i32
        %broadcast_in_dim3A_308 = vector.broadcast %add3A_307 : i32 to vector<16xi32>
        %gather3A_309 = tpu.vector_load_idx %arg5[%broadcast_in_dim3A_305, %broadcast_in_dim3A_308] : memref<8x128xi32, #tpu.memory_space<vmem>>[vector<16xi32>, vector<16xi32>], vector<16xi32>,
        %bitcast3A_310 = vector.bitcast %gather3A_309 : vector<16xi32> to vector<16xf32>
        %mul3A_311 = arith.constant 16 : i32
        %mul3A_312 = arith.muli %add3A_77, %mul3A_311 : i32
        %add3A_313 = arith.constant 3 : i32
        %add3A_314 = arith.addi %mul3A_312, %add3A_313 : i32
        %get3A_315 = arith.index_cast %add3A_314 : i32 to index
        %get3A_316 = arith.constant 0 : index
        %get3A_317 = tpu.vector_load %arg6[%get3A_315, %get3A_316] {strides = array<i32>} : memref<256x128xf32, #tpu.memory_space<vmem>>, vector<16xf32>,
        %mul3A_318 = arith.mulf %get3A_317, %bitcast3A_310 : vector<16xf32>
        %swap3A_319 = arith.index_cast %add3A_314 : i32 to index
        %swap3A_320 = arith.constant 0 : index
        %swap3A_321 = tpu.vector_load %arg6[%swap3A_319, %swap3A_320] {strides = array<i32>} : memref<256x128xf32, #tpu.memory_space<vmem>>, vector<16xf32>,
        tpu.vector_store %arg6[%swap3A_319, %swap3A_320], %mul3A_318 {strides = array<i32>} : memref<256x128xf32, #tpu.memory_space<vmem>>, vector<16xf32>,
        %get3A_322 = arith.index_cast %add3A_314 : i32 to index
        %get3A_323 = arith.constant 16 : index
        %get3A_324 = tpu.vector_load %arg6[%get3A_322, %get3A_323] {strides = array<i32>} : memref<256x128xf32, #tpu.memory_space<vmem>>, vector<16xf32>,
        %mul3A_325 = arith.mulf %get3A_324, %bitcast3A_310 : vector<16xf32>
        %swap3A_326 = arith.index_cast %add3A_314 : i32 to index
        %swap3A_327 = arith.constant 16 : index
        %swap3A_328 = tpu.vector_load %arg6[%swap3A_326, %swap3A_327] {strides = array<i32>} : memref<256x128xf32, #tpu.memory_space<vmem>>, vector<16xf32>,
        tpu.vector_store %arg6[%swap3A_326, %swap3A_327], %mul3A_325 {strides = array<i32>} : memref<256x128xf32, #tpu.memory_space<vmem>>, vector<16xf32>,
        %get3A_329 = arith.index_cast %add3A_314 : i32 to index
        %get3A_330 = arith.constant 32 : index
        %get3A_331 = tpu.vector_load %arg6[%get3A_329, %get3A_330] {strides = array<i32>} : memref<256x128xf32, #tpu.memory_space<vmem>>, vector<16xf32>,
        %mul3A_332 = arith.mulf %get3A_331, %bitcast3A_310 : vector<16xf32>
        %swap3A_333 = arith.index_cast %add3A_314 : i32 to index
        %swap3A_334 = arith.constant 32 : index
        %swap3A_335 = tpu.vector_load %arg6[%swap3A_333, %swap3A_334] {strides = array<i32>} : memref<256x128xf32, #tpu.memory_space<vmem>>, vector<16xf32>,
        tpu.vector_store %arg6[%swap3A_333, %swap3A_334], %mul3A_332 {strides = array<i32>} : memref<256x128xf32, #tpu.memory_space<vmem>>, vector<16xf32>,
        %get3A_336 = arith.index_cast %add3A_314 : i32 to index
        %get3A_337 = arith.constant 48 : index
        %get3A_338 = tpu.vector_load %arg6[%get3A_336, %get3A_337] {strides = array<i32>} : memref<256x128xf32, #tpu.memory_space<vmem>>, vector<16xf32>,
        %mul3A_339 = arith.mulf %get3A_338, %bitcast3A_310 : vector<16xf32>
        %swap3A_340 = arith.index_cast %add3A_314 : i32 to index
        %swap3A_341 = arith.constant 48 : index
        %swap3A_342 = tpu.vector_load %arg6[%swap3A_340, %swap3A_341] {strides = array<i32>} : memref<256x128xf32, #tpu.memory_space<vmem>>, vector<16xf32>,
        tpu.vector_store %arg6[%swap3A_340, %swap3A_341], %mul3A_339 {strides = array<i32>} : memref<256x128xf32, #tpu.memory_space<vmem>>, vector<16xf32>,
        %get3A_343 = arith.index_cast %add3A_314 : i32 to index
        %get3A_344 = arith.constant 64 : index
        %get3A_345 = tpu.vector_load %arg6[%get3A_343, %get3A_344] {strides = array<i32>} : memref<256x128xf32, #tpu.memory_space<vmem>>, vector<16xf32>,
        %mul3A_346 = arith.mulf %get3A_345, %bitcast3A_310 : vector<16xf32>
        %swap3A_347 = arith.index_cast %add3A_314 : i32 to index
        %swap3A_348 = arith.constant 64 : index
        %swap3A_349 = tpu.vector_load %arg6[%swap3A_347, %swap3A_348] {strides = array<i32>} : memref<256x128xf32, #tpu.memory_space<vmem>>, vector<16xf32>,
        tpu.vector_store %arg6[%swap3A_347, %swap3A_348], %mul3A_346 {strides = array<i32>} : memref<256x128xf32, #tpu.memory_space<vmem>>, vector<16xf32>,
        %get3A_350 = arith.index_cast %add3A_314 : i32 to index
        %get3A_351 = arith.constant 80 : index
        %get3A_352 = tpu.vector_load %arg6[%get3A_350, %get3A_351] {strides = array<i32>} : memref<256x128xf32, #tpu.memory_space<vmem>>, vector<16xf32>,
        %mul3A_353 = arith.mulf %get3A_352, %bitcast3A_310 : vector<16xf32>
        %swap3A_354 = arith.index_cast %add3A_314 : i32 to index
        %swap3A_355 = arith.constant 80 : index
        %swap3A_356 = tpu.vector_load %arg6[%swap3A_354, %swap3A_355] {strides = array<i32>} : memref<256x128xf32, #tpu.memory_space<vmem>>, vector<16xf32>,
        tpu.vector_store %arg6[%swap3A_354, %swap3A_355], %mul3A_353 {strides = array<i32>} : memref<256x128xf32, #tpu.memory_space<vmem>>, vector<16xf32>,
        %get3A_357 = arith.index_cast %add3A_314 : i32 to index
        %get3A_358 = arith.constant 96 : index
        %get3A_359 = tpu.vector_load %arg6[%get3A_357, %get3A_358] {strides = array<i32>} : memref<256x128xf32, #tpu.memory_space<vmem>>, vector<16xf32>,
        %mul3A_360 = arith.mulf %get3A_359, %bitcast3A_310 : vector<16xf32>
        %swap3A_361 = arith.index_cast %add3A_314 : i32 to index
        %swap3A_362 = arith.constant 96 : index
        %swap3A_363 = tpu.vector_load %arg6[%swap3A_361, %swap3A_362] {strides = array<i32>} : memref<256x128xf32, #tpu.memory_space<vmem>>, vector<16xf32>,
        tpu.vector_store %arg6[%swap3A_361, %swap3A_362], %mul3A_360 {strides = array<i32>} : memref<256x128xf32, #tpu.memory_space<vmem>>, vector<16xf32>,
        %get3A_364 = arith.index_cast %add3A_314 : i32 to index
        %get3A_365 = arith.constant 112 : index
        %get3A_366 = tpu.vector_load %arg6[%get3A_364, %get3A_365] {strides = array<i32>} : memref<256x128xf32, #tpu.memory_space<vmem>>, vector<16xf32>,
        %mul3A_367 = arith.mulf %get3A_366, %bitcast3A_310 : vector<16xf32>
        %swap3A_368 = arith.index_cast %add3A_314 : i32 to index
        %swap3A_369 = arith.constant 112 : index
        %swap3A_370 = tpu.vector_load %arg6[%swap3A_368, %swap3A_369] {strides = array<i32>} : memref<256x128xf32, #tpu.memory_space<vmem>>, vector<16xf32>,
        tpu.vector_store %arg6[%swap3A_368, %swap3A_369], %mul3A_367 {strides = array<i32>} : memref<256x128xf32, #tpu.memory_space<vmem>>, vector<16xf32>,
        %broadcast_in_dim3A_371 = vector.broadcast %add3A_95 : i32 to vector<16xi32>
        %add3A_372 = arith.constant 4 : i32
        %add3A_373 = arith.addi %mul3A_111, %add3A_372 : i32
        %broadcast_in_dim3A_374 = vector.broadcast %add3A_373 : i32 to vector<16xi32>
        %gather3A_375 = tpu.vector_load_idx %arg5[%broadcast_in_dim3A_371, %broadcast_in_dim3A_374] : memref<8x128xi32, #tpu.memory_space<vmem>>[vector<16xi32>, vector<16xi32>], vector<16xi32>,
        %bitcast3A_376 = vector.bitcast %gather3A_375 : vector<16xi32> to vector<16xf32>
        %mul3A_377 = arith.constant 16 : i32
        %mul3A_378 = arith.muli %add3A_77, %mul3A_377 : i32
        %add3A_379 = arith.constant 4 : i32
        %add3A_380 = arith.addi %mul3A_378, %add3A_379 : i32
        %get3A_381 = arith.index_cast %add3A_380 : i32 to index
        %get3A_382 = arith.constant 0 : index
        %get3A_383 = tpu.vector_load %arg6[%get3A_381, %get3A_382] {strides = array<i32>} : memref<256x128xf32, #tpu.memory_space<vmem>>, vector<16xf32>,
        %mul3A_384 = arith.mulf %get3A_383, %bitcast3A_376 : vector<16xf32>
        %swap3A_385 = arith.index_cast %add3A_380 : i32 to index
        %swap3A_386 = arith.constant 0 : index
        %swap3A_387 = tpu.vector_load %arg6[%swap3A_385, %swap3A_386] {strides = array<i32>} : memref<256x128xf32, #tpu.memory_space<vmem>>, vector<16xf32>,
        tpu.vector_store %arg6[%swap3A_385, %swap3A_386], %mul3A_384 {strides = array<i32>} : memref<256x128xf32, #tpu.memory_space<vmem>>, vector<16xf32>,
        %get3A_388 = arith.index_cast %add3A_380 : i32 to index
        %get3A_389 = arith.constant 16 : index
        %get3A_390 = tpu.vector_load %arg6[%get3A_388, %get3A_389] {strides = array<i32>} : memref<256x128xf32, #tpu.memory_space<vmem>>, vector<16xf32>,
        %mul3A_391 = arith.mulf %get3A_390, %bitcast3A_376 : vector<16xf32>
        %swap3A_392 = arith.index_cast %add3A_380 : i32 to index
        %swap3A_393 = arith.constant 16 : index
        %swap3A_394 = tpu.vector_load %arg6[%swap3A_392, %swap3A_393] {strides = array<i32>} : memref<256x128xf32, #tpu.memory_space<vmem>>, vector<16xf32>,
        tpu.vector_store %arg6[%swap3A_392, %swap3A_393], %mul3A_391 {strides = array<i32>} : memref<256x128xf32, #tpu.memory_space<vmem>>, vector<16xf32>,
        %get3A_395 = arith.index_cast %add3A_380 : i32 to index
        %get3A_396 = arith.constant 32 : index
        %get3A_397 = tpu.vector_load %arg6[%get3A_395, %get3A_396] {strides = array<i32>} : memref<256x128xf32, #tpu.memory_space<vmem>>, vector<16xf32>,
        %mul3A_398 = arith.mulf %get3A_397, %bitcast3A_376 : vector<16xf32>
        %swap3A_399 = arith.index_cast %add3A_380 : i32 to index
        %swap3A_400 = arith.constant 32 : index
        %swap3A_401 = tpu.vector_load %arg6[%swap3A_399, %swap3A_400] {strides = array<i32>} : memref<256x128xf32, #tpu.memory_space<vmem>>, vector<16xf32>,
        tpu.vector_store %arg6[%swap3A_399, %swap3A_400], %mul3A_398 {strides = array<i32>} : memref<256x128xf32, #tpu.memory_space<vmem>>, vector<16xf32>,
        %get3A_402 = arith.index_cast %add3A_380 : i32 to index
        %get3A_403 = arith.constant 48 : index
        %get3A_404 = tpu.vector_load %arg6[%get3A_402, %get3A_403] {strides = array<i32>} : memref<256x128xf32, #tpu.memory_space<vmem>>, vector<16xf32>,
        %mul3A_405 = arith.mulf %get3A_404, %bitcast3A_376 : vector<16xf32>
        %swap3A_406 = arith.index_cast %add3A_380 : i32 to index
        %swap3A_407 = arith.constant 48 : index
        %swap3A_408 = tpu.vector_load %arg6[%swap3A_406, %swap3A_407] {strides = array<i32>} : memref<256x128xf32, #tpu.memory_space<vmem>>, vector<16xf32>,
        tpu.vector_store %arg6[%swap3A_406, %swap3A_407], %mul3A_405 {strides = array<i32>} : memref<256x128xf32, #tpu.memory_space<vmem>>, vector<16xf32>,
        %get3A_409 = arith.index_cast %add3A_380 : i32 to index
        %get3A_410 = arith.constant 64 : index
        %get3A_411 = tpu.vector_load %arg6[%get3A_409, %get3A_410] {strides = array<i32>} : memref<256x128xf32, #tpu.memory_space<vmem>>, vector<16xf32>,
        %mul3A_412 = arith.mulf %get3A_411, %bitcast3A_376 : vector<16xf32>
        %swap3A_413 = arith.index_cast %add3A_380 : i32 to index
        %swap3A_414 = arith.constant 64 : index
        %swap3A_415 = tpu.vector_load %arg6[%swap3A_413, %swap3A_414] {strides = array<i32>} : memref<256x128xf32, #tpu.memory_space<vmem>>, vector<16xf32>,
        tpu.vector_store %arg6[%swap3A_413, %swap3A_414], %mul3A_412 {strides = array<i32>} : memref<256x128xf32, #tpu.memory_space<vmem>>, vector<16xf32>,
        %get3A_416 = arith.index_cast %add3A_380 : i32 to index
        %get3A_417 = arith.constant 80 : index
        %get3A_418 = tpu.vector_load %arg6[%get3A_416, %get3A_417] {strides = array<i32>} : memref<256x128xf32, #tpu.memory_space<vmem>>, vector<16xf32>,
        %mul3A_419 = arith.mulf %get3A_418, %bitcast3A_376 : vector<16xf32>
        %swap3A_420 = arith.index_cast %add3A_380 : i32 to index
        %swap3A_421 = arith.constant 80 : index
        %swap3A_422 = tpu.vector_load %arg6[%swap3A_420, %swap3A_421] {strides = array<i32>} : memref<256x128xf32, #tpu.memory_space<vmem>>, vector<16xf32>,
        tpu.vector_store %arg6[%swap3A_420, %swap3A_421], %mul3A_419 {strides = array<i32>} : memref<256x128xf32, #tpu.memory_space<vmem>>, vector<16xf32>,
        %get3A_423 = arith.index_cast %add3A_380 : i32 to index
        %get3A_424 = arith.constant 96 : index
        %get3A_425 = tpu.vector_load %arg6[%get3A_423, %get3A_424] {strides = array<i32>} : memref<256x128xf32, #tpu.memory_space<vmem>>, vector<16xf32>,
        %mul3A_426 = arith.mulf %get3A_425, %bitcast3A_376 : vector<16xf32>
        %swap3A_427 = arith.index_cast %add3A_380 : i32 to index
        %swap3A_428 = arith.constant 96 : index
        %swap3A_429 = tpu.vector_load %arg6[%swap3A_427, %swap3A_428] {strides = array<i32>} : memref<256x128xf32, #tpu.memory_space<vmem>>, vector<16xf32>,
        tpu.vector_store %arg6[%swap3A_427, %swap3A_428], %mul3A_426 {strides = array<i32>} : memref<256x128xf32, #tpu.memory_space<vmem>>, vector<16xf32>,
        %get3A_430 = arith.index_cast %add3A_380 : i32 to index
        %get3A_431 = arith.constant 112 : index
        %get3A_432 = tpu.vector_load %arg6[%get3A_430, %get3A_431] {strides = array<i32>} : memref<256x128xf32, #tpu.memory_space<vmem>>, vector<16xf32>,
        %mul3A_433 = arith.mulf %get3A_432, %bitcast3A_376 : vector<16xf32>
        %swap3A_434 = arith.index_cast %add3A_380 : i32 to index
        %swap3A_435 = arith.constant 112 : index
        %swap3A_436 = tpu.vector_load %arg6[%swap3A_434, %swap3A_435] {strides = array<i32>} : memref<256x128xf32, #tpu.memory_space<vmem>>, vector<16xf32>,
        tpu.vector_store %arg6[%swap3A_434, %swap3A_435], %mul3A_433 {strides = array<i32>} : memref<256x128xf32, #tpu.memory_space<vmem>>, vector<16xf32>,
        %broadcast_in_dim3A_437 = vector.broadcast %add3A_95 : i32 to vector<16xi32>
        %add3A_438 = arith.constant 5 : i32
        %add3A_439 = arith.addi %mul3A_111, %add3A_438 : i32
        %broadcast_in_dim3A_440 = vector.broadcast %add3A_439 : i32 to vector<16xi32>
        %gather3A_441 = tpu.vector_load_idx %arg5[%broadcast_in_dim3A_437, %broadcast_in_dim3A_440] : memref<8x128xi32, #tpu.memory_space<vmem>>[vector<16xi32>, vector<16xi32>], vector<16xi32>,
        %bitcast3A_442 = vector.bitcast %gather3A_441 : vector<16xi32> to vector<16xf32>
        %mul3A_443 = arith.constant 16 : i32
        %mul3A_444 = arith.muli %add3A_77, %mul3A_443 : i32
        %add3A_445 = arith.constant 5 : i32
        %add3A_446 = arith.addi %mul3A_444, %add3A_445 : i32
        %get3A_447 = arith.index_cast %add3A_446 : i32 to index
        %get3A_448 = arith.constant 0 : index
        %get3A_449 = tpu.vector_load %arg6[%get3A_447, %get3A_448] {strides = array<i32>} : memref<256x128xf32, #tpu.memory_space<vmem>>, vector<16xf32>,
        %mul3A_450 = arith.mulf %get3A_449, %bitcast3A_442 : vector<16xf32>
        %swap3A_451 = arith.index_cast %add3A_446 : i32 to index
        %swap3A_452 = arith.constant 0 : index
        %swap3A_453 = tpu.vector_load %arg6[%swap3A_451, %swap3A_452] {strides = array<i32>} : memref<256x128xf32, #tpu.memory_space<vmem>>, vector<16xf32>,
        tpu.vector_store %arg6[%swap3A_451, %swap3A_452], %mul3A_450 {strides = array<i32>} : memref<256x128xf32, #tpu.memory_space<vmem>>, vector<16xf32>,
        %get3A_454 = arith.index_cast %add3A_446 : i32 to index
        %get3A_455 = arith.constant 16 : index
        %get3A_456 = tpu.vector_load %arg6[%get3A_454, %get3A_455] {strides = array<i32>} : memref<256x128xf32, #tpu.memory_space<vmem>>, vector<16xf32>,
        %mul3A_457 = arith.mulf %get3A_456, %bitcast3A_442 : vector<16xf32>
        %swap3A_458 = arith.index_cast %add3A_446 : i32 to index
        %swap3A_459 = arith.constant 16 : index
        %swap3A_460 = tpu.vector_load %arg6[%swap3A_458, %swap3A_459] {strides = array<i32>} : memref<256x128xf32, #tpu.memory_space<vmem>>, vector<16xf32>,
        tpu.vector_store %arg6[%swap3A_458, %swap3A_459], %mul3A_457 {strides = array<i32>} : memref<256x128xf32, #tpu.memory_space<vmem>>, vector<16xf32>,
        %get3A_461 = arith.index_cast %add3A_446 : i32 to index
        %get3A_462 = arith.constant 32 : index
        %get3A_463 = tpu.vector_load %arg6[%get3A_461, %get3A_462] {strides = array<i32>} : memref<256x128xf32, #tpu.memory_space<vmem>>, vector<16xf32>,
        %mul3A_464 = arith.mulf %get3A_463, %bitcast3A_442 : vector<16xf32>
        %swap3A_465 = arith.index_cast %add3A_446 : i32 to index
        %swap3A_466 = arith.constant 32 : index
        %swap3A_467 = tpu.vector_load %arg6[%swap3A_465, %swap3A_466] {strides = array<i32>} : memref<256x128xf32, #tpu.memory_space<vmem>>, vector<16xf32>,
        tpu.vector_store %arg6[%swap3A_465, %swap3A_466], %mul3A_464 {strides = array<i32>} : memref<256x128xf32, #tpu.memory_space<vmem>>, vector<16xf32>,
        %get3A_468 = arith.index_cast %add3A_446 : i32 to index
        %get3A_469 = arith.constant 48 : index
        %get3A_470 = tpu.vector_load %arg6[%get3A_468, %get3A_469] {strides = array<i32>} : memref<256x128xf32, #tpu.memory_space<vmem>>, vector<16xf32>,
        %mul3A_471 = arith.mulf %get3A_470, %bitcast3A_442 : vector<16xf32>
        %swap3A_472 = arith.index_cast %add3A_446 : i32 to index
        %swap3A_473 = arith.constant 48 : index
        %swap3A_474 = tpu.vector_load %arg6[%swap3A_472, %swap3A_473] {strides = array<i32>} : memref<256x128xf32, #tpu.memory_space<vmem>>, vector<16xf32>,
        tpu.vector_store %arg6[%swap3A_472, %swap3A_473], %mul3A_471 {strides = array<i32>} : memref<256x128xf32, #tpu.memory_space<vmem>>, vector<16xf32>,
        %get3A_475 = arith.index_cast %add3A_446 : i32 to index
        %get3A_476 = arith.constant 64 : index
        %get3A_477 = tpu.vector_load %arg6[%get3A_475, %get3A_476] {strides = array<i32>} : memref<256x128xf32, #tpu.memory_space<vmem>>, vector<16xf32>,
        %mul3A_478 = arith.mulf %get3A_477, %bitcast3A_442 : vector<16xf32>
        %swap3A_479 = arith.index_cast %add3A_446 : i32 to index
        %swap3A_480 = arith.constant 64 : index
        %swap3A_481 = tpu.vector_load %arg6[%swap3A_479, %swap3A_480] {strides = array<i32>} : memref<256x128xf32, #tpu.memory_space<vmem>>, vector<16xf32>,
        tpu.vector_store %arg6[%swap3A_479, %swap3A_480], %mul3A_478 {strides = array<i32>} : memref<256x128xf32, #tpu.memory_space<vmem>>, vector<16xf32>,
        %get3A_482 = arith.index_cast %add3A_446 : i32 to index
        %get3A_483 = arith.constant 80 : index
        %get3A_484 = tpu.vector_load %arg6[%get3A_482, %get3A_483] {strides = array<i32>} : memref<256x128xf32, #tpu.memory_space<vmem>>, vector<16xf32>,
        %mul3A_485 = arith.mulf %get3A_484, %bitcast3A_442 : vector<16xf32>
        %swap3A_486 = arith.index_cast %add3A_446 : i32 to index
        %swap3A_487 = arith.constant 80 : index
        %swap3A_488 = tpu.vector_load %arg6[%swap3A_486, %swap3A_487] {strides = array<i32>} : memref<256x128xf32, #tpu.memory_space<vmem>>, vector<16xf32>,
        tpu.vector_store %arg6[%swap3A_486, %swap3A_487], %mul3A_485 {strides = array<i32>} : memref<256x128xf32, #tpu.memory_space<vmem>>, vector<16xf32>,
        %get3A_489 = arith.index_cast %add3A_446 : i32 to index
        %get3A_490 = arith.constant 96 : index
        %get3A_491 = tpu.vector_load %arg6[%get3A_489, %get3A_490] {strides = array<i32>} : memref<256x128xf32, #tpu.memory_space<vmem>>, vector<16xf32>,
        %mul3A_492 = arith.mulf %get3A_491, %bitcast3A_442 : vector<16xf32>
        %swap3A_493 = arith.index_cast %add3A_446 : i32 to index
        %swap3A_494 = arith.constant 96 : index
        %swap3A_495 = tpu.vector_load %arg6[%swap3A_493, %swap3A_494] {strides = array<i32>} : memref<256x128xf32, #tpu.memory_space<vmem>>, vector<16xf32>,
        tpu.vector_store %arg6[%swap3A_493, %swap3A_494], %mul3A_492 {strides = array<i32>} : memref<256x128xf32, #tpu.memory_space<vmem>>, vector<16xf32>,
        %get3A_496 = arith.index_cast %add3A_446 : i32 to index
        %get3A_497 = arith.constant 112 : index
        %get3A_498 = tpu.vector_load %arg6[%get3A_496, %get3A_497] {strides = array<i32>} : memref<256x128xf32, #tpu.memory_space<vmem>>, vector<16xf32>,
        %mul3A_499 = arith.mulf %get3A_498, %bitcast3A_442 : vector<16xf32>
        %swap3A_500 = arith.index_cast %add3A_446 : i32 to index
        %swap3A_501 = arith.constant 112 : index
        %swap3A_502 = tpu.vector_load %arg6[%swap3A_500, %swap3A_501] {strides = array<i32>} : memref<256x128xf32, #tpu.memory_space<vmem>>, vector<16xf32>,
        tpu.vector_store %arg6[%swap3A_500, %swap3A_501], %mul3A_499 {strides = array<i32>} : memref<256x128xf32, #tpu.memory_space<vmem>>, vector<16xf32>,
        %broadcast_in_dim3A_503 = vector.broadcast %add3A_95 : i32 to vector<16xi32>
        %add3A_504 = arith.constant 6 : i32
        %add3A_505 = arith.addi %mul3A_111, %add3A_504 : i32
        %broadcast_in_dim3A_506 = vector.broadcast %add3A_505 : i32 to vector<16xi32>
        %gather3A_507 = tpu.vector_load_idx %arg5[%broadcast_in_dim3A_503, %broadcast_in_dim3A_506] : memref<8x128xi32, #tpu.memory_space<vmem>>[vector<16xi32>, vector<16xi32>], vector<16xi32>,
        %bitcast3A_508 = vector.bitcast %gather3A_507 : vector<16xi32> to vector<16xf32>
        %mul3A_509 = arith.constant 16 : i32
        %mul3A_510 = arith.muli %add3A_77, %mul3A_509 : i32
        %add3A_511 = arith.constant 6 : i32
        %add3A_512 = arith.addi %mul3A_510, %add3A_511 : i32
        %get3A_513 = arith.index_cast %add3A_512 : i32 to index
        %get3A_514 = arith.constant 0 : index
        %get3A_515 = tpu.vector_load %arg6[%get3A_513, %get3A_514] {strides = array<i32>} : memref<256x128xf32, #tpu.memory_space<vmem>>, vector<16xf32>,
        %mul3A_516 = arith.mulf %get3A_515, %bitcast3A_508 : vector<16xf32>
        %swap3A_517 = arith.index_cast %add3A_512 : i32 to index
        %swap3A_518 = arith.constant 0 : index
        %swap3A_519 = tpu.vector_load %arg6[%swap3A_517, %swap3A_518] {strides = array<i32>} : memref<256x128xf32, #tpu.memory_space<vmem>>, vector<16xf32>,
        tpu.vector_store %arg6[%swap3A_517, %swap3A_518], %mul3A_516 {strides = array<i32>} : memref<256x128xf32, #tpu.memory_space<vmem>>, vector<16xf32>,
        %get3A_520 = arith.index_cast %add3A_512 : i32 to index
        %get3A_521 = arith.constant 16 : index
        %get3A_522 = tpu.vector_load %arg6[%get3A_520, %get3A_521] {strides = array<i32>} : memref<256x128xf32, #tpu.memory_space<vmem>>, vector<16xf32>,
        %mul3A_523 = arith.mulf %get3A_522, %bitcast3A_508 : vector<16xf32>
        %swap3A_524 = arith.index_cast %add3A_512 : i32 to index
        %swap3A_525 = arith.constant 16 : index
        %swap3A_526 = tpu.vector_load %arg6[%swap3A_524, %swap3A_525] {strides = array<i32>} : memref<256x128xf32, #tpu.memory_space<vmem>>, vector<16xf32>,
        tpu.vector_store %arg6[%swap3A_524, %swap3A_525], %mul3A_523 {strides = array<i32>} : memref<256x128xf32, #tpu.memory_space<vmem>>, vector<16xf32>,
        %get3A_527 = arith.index_cast %add3A_512 : i32 to index
        %get3A_528 = arith.constant 32 : index
        %get3A_529 = tpu.vector_load %arg6[%get3A_527, %get3A_528] {strides = array<i32>} : memref<256x128xf32, #tpu.memory_space<vmem>>, vector<16xf32>,
        %mul3A_530 = arith.mulf %get3A_529, %bitcast3A_508 : vector<16xf32>
        %swap3A_531 = arith.index_cast %add3A_512 : i32 to index
        %swap3A_532 = arith.constant 32 : index
        %swap3A_533 = tpu.vector_load %arg6[%swap3A_531, %swap3A_532] {strides = array<i32>} : memref<256x128xf32, #tpu.memory_space<vmem>>, vector<16xf32>,
        tpu.vector_store %arg6[%swap3A_531, %swap3A_532], %mul3A_530 {strides = array<i32>} : memref<256x128xf32, #tpu.memory_space<vmem>>, vector<16xf32>,
        %get3A_534 = arith.index_cast %add3A_512 : i32 to index
        %get3A_535 = arith.constant 48 : index
        %get3A_536 = tpu.vector_load %arg6[%get3A_534, %get3A_535] {strides = array<i32>} : memref<256x128xf32, #tpu.memory_space<vmem>>, vector<16xf32>,
        %mul3A_537 = arith.mulf %get3A_536, %bitcast3A_508 : vector<16xf32>
        %swap3A_538 = arith.index_cast %add3A_512 : i32 to index
        %swap3A_539 = arith.constant 48 : index
        %swap3A_540 = tpu.vector_load %arg6[%swap3A_538, %swap3A_539] {strides = array<i32>} : memref<256x128xf32, #tpu.memory_space<vmem>>, vector<16xf32>,
        tpu.vector_store %arg6[%swap3A_538, %swap3A_539], %mul3A_537 {strides = array<i32>} : memref<256x128xf32, #tpu.memory_space<vmem>>, vector<16xf32>,
        %get3A_541 = arith.index_cast %add3A_512 : i32 to index
        %get3A_542 = arith.constant 64 : index
        %get3A_543 = tpu.vector_load %arg6[%get3A_541, %get3A_542] {strides = array<i32>} : memref<256x128xf32, #tpu.memory_space<vmem>>, vector<16xf32>,
        %mul3A_544 = arith.mulf %get3A_543, %bitcast3A_508 : vector<16xf32>
        %swap3A_545 = arith.index_cast %add3A_512 : i32 to index
        %swap3A_546 = arith.constant 64 : index
        %swap3A_547 = tpu.vector_load %arg6[%swap3A_545, %swap3A_546] {strides = array<i32>} : memref<256x128xf32, #tpu.memory_space<vmem>>, vector<16xf32>,
        tpu.vector_store %arg6[%swap3A_545, %swap3A_546], %mul3A_544 {strides = array<i32>} : memref<256x128xf32, #tpu.memory_space<vmem>>, vector<16xf32>,
        %get3A_548 = arith.index_cast %add3A_512 : i32 to index
        %get3A_549 = arith.constant 80 : index
        %get3A_550 = tpu.vector_load %arg6[%get3A_548, %get3A_549] {strides = array<i32>} : memref<256x128xf32, #tpu.memory_space<vmem>>, vector<16xf32>,
        %mul3A_551 = arith.mulf %get3A_550, %bitcast3A_508 : vector<16xf32>
        %swap3A_552 = arith.index_cast %add3A_512 : i32 to index
        %swap3A_553 = arith.constant 80 : index
        %swap3A_554 = tpu.vector_load %arg6[%swap3A_552, %swap3A_553] {strides = array<i32>} : memref<256x128xf32, #tpu.memory_space<vmem>>, vector<16xf32>,
        tpu.vector_store %arg6[%swap3A_552, %swap3A_553], %mul3A_551 {strides = array<i32>} : memref<256x128xf32, #tpu.memory_space<vmem>>, vector<16xf32>,
        %get3A_555 = arith.index_cast %add3A_512 : i32 to index
        %get3A_556 = arith.constant 96 : index
        %get3A_557 = tpu.vector_load %arg6[%get3A_555, %get3A_556] {strides = array<i32>} : memref<256x128xf32, #tpu.memory_space<vmem>>, vector<16xf32>,
        %mul3A_558 = arith.mulf %get3A_557, %bitcast3A_508 : vector<16xf32>
        %swap3A_559 = arith.index_cast %add3A_512 : i32 to index
        %swap3A_560 = arith.constant 96 : index
        %swap3A_561 = tpu.vector_load %arg6[%swap3A_559, %swap3A_560] {strides = array<i32>} : memref<256x128xf32, #tpu.memory_space<vmem>>, vector<16xf32>,
        tpu.vector_store %arg6[%swap3A_559, %swap3A_560], %mul3A_558 {strides = array<i32>} : memref<256x128xf32, #tpu.memory_space<vmem>>, vector<16xf32>,
        %get3A_562 = arith.index_cast %add3A_512 : i32 to index
        %get3A_563 = arith.constant 112 : index
        %get3A_564 = tpu.vector_load %arg6[%get3A_562, %get3A_563] {strides = array<i32>} : memref<256x128xf32, #tpu.memory_space<vmem>>, vector<16xf32>,
        %mul3A_565 = arith.mulf %get3A_564, %bitcast3A_508 : vector<16xf32>
        %swap3A_566 = arith.index_cast %add3A_512 : i32 to index
        %swap3A_567 = arith.constant 112 : index
        %swap3A_568 = tpu.vector_load %arg6[%swap3A_566, %swap3A_567] {strides = array<i32>} : memref<256x128xf32, #tpu.memory_space<vmem>>, vector<16xf32>,
        tpu.vector_store %arg6[%swap3A_566, %swap3A_567], %mul3A_565 {strides = array<i32>} : memref<256x128xf32, #tpu.memory_space<vmem>>, vector<16xf32>,
        %broadcast_in_dim3A_569 = vector.broadcast %add3A_95 : i32 to vector<16xi32>
        %add3A_570 = arith.constant 7 : i32
        %add3A_571 = arith.addi %mul3A_111, %add3A_570 : i32
        %broadcast_in_dim3A_572 = vector.broadcast %add3A_571 : i32 to vector<16xi32>
        %gather3A_573 = tpu.vector_load_idx %arg5[%broadcast_in_dim3A_569, %broadcast_in_dim3A_572] : memref<8x128xi32, #tpu.memory_space<vmem>>[vector<16xi32>, vector<16xi32>], vector<16xi32>,
        %bitcast3A_574 = vector.bitcast %gather3A_573 : vector<16xi32> to vector<16xf32>
        %mul3A_575 = arith.constant 16 : i32
        %mul3A_576 = arith.muli %add3A_77, %mul3A_575 : i32
        %add3A_577 = arith.constant 7 : i32
        %add3A_578 = arith.addi %mul3A_576, %add3A_577 : i32
        %get3A_579 = arith.index_cast %add3A_578 : i32 to index
        %get3A_580 = arith.constant 0 : index
        %get3A_581 = tpu.vector_load %arg6[%get3A_579, %get3A_580] {strides = array<i32>} : memref<256x128xf32, #tpu.memory_space<vmem>>, vector<16xf32>,
        %mul3A_582 = arith.mulf %get3A_581, %bitcast3A_574 : vector<16xf32>
        %swap3A_583 = arith.index_cast %add3A_578 : i32 to index
        %swap3A_584 = arith.constant 0 : index
        %swap3A_585 = tpu.vector_load %arg6[%swap3A_583, %swap3A_584] {strides = array<i32>} : memref<256x128xf32, #tpu.memory_space<vmem>>, vector<16xf32>,
        tpu.vector_store %arg6[%swap3A_583, %swap3A_584], %mul3A_582 {strides = array<i32>} : memref<256x128xf32, #tpu.memory_space<vmem>>, vector<16xf32>,
        %get3A_586 = arith.index_cast %add3A_578 : i32 to index
        %get3A_587 = arith.constant 16 : index
        %get3A_588 = tpu.vector_load %arg6[%get3A_586, %get3A_587] {strides = array<i32>} : memref<256x128xf32, #tpu.memory_space<vmem>>, vector<16xf32>,
        %mul3A_589 = arith.mulf %get3A_588, %bitcast3A_574 : vector<16xf32>
        %swap3A_590 = arith.index_cast %add3A_578 : i32 to index
        %swap3A_591 = arith.constant 16 : index
        %swap3A_592 = tpu.vector_load %arg6[%swap3A_590, %swap3A_591] {strides = array<i32>} : memref<256x128xf32, #tpu.memory_space<vmem>>, vector<16xf32>,
        tpu.vector_store %arg6[%swap3A_590, %swap3A_591], %mul3A_589 {strides = array<i32>} : memref<256x128xf32, #tpu.memory_space<vmem>>, vector<16xf32>,
        %get3A_593 = arith.index_cast %add3A_578 : i32 to index
        %get3A_594 = arith.constant 32 : index
        %get3A_595 = tpu.vector_load %arg6[%get3A_593, %get3A_594] {strides = array<i32>} : memref<256x128xf32, #tpu.memory_space<vmem>>, vector<16xf32>,
        %mul3A_596 = arith.mulf %get3A_595, %bitcast3A_574 : vector<16xf32>
        %swap3A_597 = arith.index_cast %add3A_578 : i32 to index
        %swap3A_598 = arith.constant 32 : index
        %swap3A_599 = tpu.vector_load %arg6[%swap3A_597, %swap3A_598] {strides = array<i32>} : memref<256x128xf32, #tpu.memory_space<vmem>>, vector<16xf32>,
        tpu.vector_store %arg6[%swap3A_597, %swap3A_598], %mul3A_596 {strides = array<i32>} : memref<256x128xf32, #tpu.memory_space<vmem>>, vector<16xf32>,
        %get3A_600 = arith.index_cast %add3A_578 : i32 to index
        %get3A_601 = arith.constant 48 : index
        %get3A_602 = tpu.vector_load %arg6[%get3A_600, %get3A_601] {strides = array<i32>} : memref<256x128xf32, #tpu.memory_space<vmem>>, vector<16xf32>,
        %mul3A_603 = arith.mulf %get3A_602, %bitcast3A_574 : vector<16xf32>
        %swap3A_604 = arith.index_cast %add3A_578 : i32 to index
        %swap3A_605 = arith.constant 48 : index
        %swap3A_606 = tpu.vector_load %arg6[%swap3A_604, %swap3A_605] {strides = array<i32>} : memref<256x128xf32, #tpu.memory_space<vmem>>, vector<16xf32>,
        tpu.vector_store %arg6[%swap3A_604, %swap3A_605], %mul3A_603 {strides = array<i32>} : memref<256x128xf32, #tpu.memory_space<vmem>>, vector<16xf32>,
        %get3A_607 = arith.index_cast %add3A_578 : i32 to index
        %get3A_608 = arith.constant 64 : index
        %get3A_609 = tpu.vector_load %arg6[%get3A_607, %get3A_608] {strides = array<i32>} : memref<256x128xf32, #tpu.memory_space<vmem>>, vector<16xf32>,
        %mul3A_610 = arith.mulf %get3A_609, %bitcast3A_574 : vector<16xf32>
        %swap3A_611 = arith.index_cast %add3A_578 : i32 to index
        %swap3A_612 = arith.constant 64 : index
        %swap3A_613 = tpu.vector_load %arg6[%swap3A_611, %swap3A_612] {strides = array<i32>} : memref<256x128xf32, #tpu.memory_space<vmem>>, vector<16xf32>,
        tpu.vector_store %arg6[%swap3A_611, %swap3A_612], %mul3A_610 {strides = array<i32>} : memref<256x128xf32, #tpu.memory_space<vmem>>, vector<16xf32>,
        %get3A_614 = arith.index_cast %add3A_578 : i32 to index
        %get3A_615 = arith.constant 80 : index
        %get3A_616 = tpu.vector_load %arg6[%get3A_614, %get3A_615] {strides = array<i32>} : memref<256x128xf32, #tpu.memory_space<vmem>>, vector<16xf32>,
        %mul3A_617 = arith.mulf %get3A_616, %bitcast3A_574 : vector<16xf32>
        %swap3A_618 = arith.index_cast %add3A_578 : i32 to index
        %swap3A_619 = arith.constant 80 : index
        %swap3A_620 = tpu.vector_load %arg6[%swap3A_618, %swap3A_619] {strides = array<i32>} : memref<256x128xf32, #tpu.memory_space<vmem>>, vector<16xf32>,
        tpu.vector_store %arg6[%swap3A_618, %swap3A_619], %mul3A_617 {strides = array<i32>} : memref<256x128xf32, #tpu.memory_space<vmem>>, vector<16xf32>,
        %get3A_621 = arith.index_cast %add3A_578 : i32 to index
        %get3A_622 = arith.constant 96 : index
        %get3A_623 = tpu.vector_load %arg6[%get3A_621, %get3A_622] {strides = array<i32>} : memref<256x128xf32, #tpu.memory_space<vmem>>, vector<16xf32>,
        %mul3A_624 = arith.mulf %get3A_623, %bitcast3A_574 : vector<16xf32>
        %swap3A_625 = arith.index_cast %add3A_578 : i32 to index
        %swap3A_626 = arith.constant 96 : index
        %swap3A_627 = tpu.vector_load %arg6[%swap3A_625, %swap3A_626] {strides = array<i32>} : memref<256x128xf32, #tpu.memory_space<vmem>>, vector<16xf32>,
        tpu.vector_store %arg6[%swap3A_625, %swap3A_626], %mul3A_624 {strides = array<i32>} : memref<256x128xf32, #tpu.memory_space<vmem>>, vector<16xf32>,
        %get3A_628 = arith.index_cast %add3A_578 : i32 to index
        %get3A_629 = arith.constant 112 : index
        %get3A_630 = tpu.vector_load %arg6[%get3A_628, %get3A_629] {strides = array<i32>} : memref<256x128xf32, #tpu.memory_space<vmem>>, vector<16xf32>,
        %mul3A_631 = arith.mulf %get3A_630, %bitcast3A_574 : vector<16xf32>
        %swap3A_632 = arith.index_cast %add3A_578 : i32 to index
        %swap3A_633 = arith.constant 112 : index
        %swap3A_634 = tpu.vector_load %arg6[%swap3A_632, %swap3A_633] {strides = array<i32>} : memref<256x128xf32, #tpu.memory_space<vmem>>, vector<16xf32>,
        tpu.vector_store %arg6[%swap3A_632, %swap3A_633], %mul3A_631 {strides = array<i32>} : memref<256x128xf32, #tpu.memory_space<vmem>>, vector<16xf32>,
        %broadcast_in_dim3A_635 = vector.broadcast %add3A_95 : i32 to vector<16xi32>
        %add3A_636 = arith.constant 8 : i32
        %add3A_637 = arith.addi %mul3A_111, %add3A_636 : i32
        %broadcast_in_dim3A_638 = vector.broadcast %add3A_637 : i32 to vector<16xi32>
        %gather3A_639 = tpu.vector_load_idx %arg5[%broadcast_in_dim3A_635, %broadcast_in_dim3A_638] : memref<8x128xi32, #tpu.memory_space<vmem>>[vector<16xi32>, vector<16xi32>], vector<16xi32>,
        %bitcast3A_640 = vector.bitcast %gather3A_639 : vector<16xi32> to vector<16xf32>
        %mul3A_641 = arith.constant 16 : i32
        %mul3A_642 = arith.muli %add3A_77, %mul3A_641 : i32
        %add3A_643 = arith.constant 8 : i32
        %add3A_644 = arith.addi %mul3A_642, %add3A_643 : i32
        %get3A_645 = arith.index_cast %add3A_644 : i32 to index
        %get3A_646 = arith.constant 0 : index
        %get3A_647 = tpu.vector_load %arg6[%get3A_645, %get3A_646] {strides = array<i32>} : memref<256x128xf32, #tpu.memory_space<vmem>>, vector<16xf32>,
        %mul3A_648 = arith.mulf %get3A_647, %bitcast3A_640 : vector<16xf32>
        %swap3A_649 = arith.index_cast %add3A_644 : i32 to index
        %swap3A_650 = arith.constant 0 : index
        %swap3A_651 = tpu.vector_load %arg6[%swap3A_649, %swap3A_650] {strides = array<i32>} : memref<256x128xf32, #tpu.memory_space<vmem>>, vector<16xf32>,
        tpu.vector_store %arg6[%swap3A_649, %swap3A_650], %mul3A_648 {strides = array<i32>} : memref<256x128xf32, #tpu.memory_space<vmem>>, vector<16xf32>,
        %get3A_652 = arith.index_cast %add3A_644 : i32 to index
        %get3A_653 = arith.constant 16 : index
        %get3A_654 = tpu.vector_load %arg6[%get3A_652, %get3A_653] {strides = array<i32>} : memref<256x128xf32, #tpu.memory_space<vmem>>, vector<16xf32>,
        %mul3A_655 = arith.mulf %get3A_654, %bitcast3A_640 : vector<16xf32>
        %swap3A_656 = arith.index_cast %add3A_644 : i32 to index
        %swap3A_657 = arith.constant 16 : index
        %swap3A_658 = tpu.vector_load %arg6[%swap3A_656, %swap3A_657] {strides = array<i32>} : memref<256x128xf32, #tpu.memory_space<vmem>>, vector<16xf32>,
        tpu.vector_store %arg6[%swap3A_656, %swap3A_657], %mul3A_655 {strides = array<i32>} : memref<256x128xf32, #tpu.memory_space<vmem>>, vector<16xf32>,
        %get3A_659 = arith.index_cast %add3A_644 : i32 to index
        %get3A_660 = arith.constant 32 : index
        %get3A_661 = tpu.vector_load %arg6[%get3A_659, %get3A_660] {strides = array<i32>} : memref<256x128xf32, #tpu.memory_space<vmem>>, vector<16xf32>,
        %mul3A_662 = arith.mulf %get3A_661, %bitcast3A_640 : vector<16xf32>
        %swap3A_663 = arith.index_cast %add3A_644 : i32 to index
        %swap3A_664 = arith.constant 32 : index
        %swap3A_665 = tpu.vector_load %arg6[%swap3A_663, %swap3A_664] {strides = array<i32>} : memref<256x128xf32, #tpu.memory_space<vmem>>, vector<16xf32>,
        tpu.vector_store %arg6[%swap3A_663, %swap3A_664], %mul3A_662 {strides = array<i32>} : memref<256x128xf32, #tpu.memory_space<vmem>>, vector<16xf32>,
        %get3A_666 = arith.index_cast %add3A_644 : i32 to index
        %get3A_667 = arith.constant 48 : index
        %get3A_668 = tpu.vector_load %arg6[%get3A_666, %get3A_667] {strides = array<i32>} : memref<256x128xf32, #tpu.memory_space<vmem>>, vector<16xf32>,
        %mul3A_669 = arith.mulf %get3A_668, %bitcast3A_640 : vector<16xf32>
        %swap3A_670 = arith.index_cast %add3A_644 : i32 to index
        %swap3A_671 = arith.constant 48 : index
        %swap3A_672 = tpu.vector_load %arg6[%swap3A_670, %swap3A_671] {strides = array<i32>} : memref<256x128xf32, #tpu.memory_space<vmem>>, vector<16xf32>,
        tpu.vector_store %arg6[%swap3A_670, %swap3A_671], %mul3A_669 {strides = array<i32>} : memref<256x128xf32, #tpu.memory_space<vmem>>, vector<16xf32>,
        %get3A_673 = arith.index_cast %add3A_644 : i32 to index
        %get3A_674 = arith.constant 64 : index
        %get3A_675 = tpu.vector_load %arg6[%get3A_673, %get3A_674] {strides = array<i32>} : memref<256x128xf32, #tpu.memory_space<vmem>>, vector<16xf32>,
        %mul3A_676 = arith.mulf %get3A_675, %bitcast3A_640 : vector<16xf32>
        %swap3A_677 = arith.index_cast %add3A_644 : i32 to index
        %swap3A_678 = arith.constant 64 : index
        %swap3A_679 = tpu.vector_load %arg6[%swap3A_677, %swap3A_678] {strides = array<i32>} : memref<256x128xf32, #tpu.memory_space<vmem>>, vector<16xf32>,
        tpu.vector_store %arg6[%swap3A_677, %swap3A_678], %mul3A_676 {strides = array<i32>} : memref<256x128xf32, #tpu.memory_space<vmem>>, vector<16xf32>,
        %get3A_680 = arith.index_cast %add3A_644 : i32 to index
        %get3A_681 = arith.constant 80 : index
        %get3A_682 = tpu.vector_load %arg6[%get3A_680, %get3A_681] {strides = array<i32>} : memref<256x128xf32, #tpu.memory_space<vmem>>, vector<16xf32>,
        %mul3A_683 = arith.mulf %get3A_682, %bitcast3A_640 : vector<16xf32>
        %swap3A_684 = arith.index_cast %add3A_644 : i32 to index
        %swap3A_685 = arith.constant 80 : index
        %swap3A_686 = tpu.vector_load %arg6[%swap3A_684, %swap3A_685] {strides = array<i32>} : memref<256x128xf32, #tpu.memory_space<vmem>>, vector<16xf32>,
        tpu.vector_store %arg6[%swap3A_684, %swap3A_685], %mul3A_683 {strides = array<i32>} : memref<256x128xf32, #tpu.memory_space<vmem>>, vector<16xf32>,
        %get3A_687 = arith.index_cast %add3A_644 : i32 to index
        %get3A_688 = arith.constant 96 : index
        %get3A_689 = tpu.vector_load %arg6[%get3A_687, %get3A_688] {strides = array<i32>} : memref<256x128xf32, #tpu.memory_space<vmem>>, vector<16xf32>,
        %mul3A_690 = arith.mulf %get3A_689, %bitcast3A_640 : vector<16xf32>
        %swap3A_691 = arith.index_cast %add3A_644 : i32 to index
        %swap3A_692 = arith.constant 96 : index
        %swap3A_693 = tpu.vector_load %arg6[%swap3A_691, %swap3A_692] {strides = array<i32>} : memref<256x128xf32, #tpu.memory_space<vmem>>, vector<16xf32>,
        tpu.vector_store %arg6[%swap3A_691, %swap3A_692], %mul3A_690 {strides = array<i32>} : memref<256x128xf32, #tpu.memory_space<vmem>>, vector<16xf32>,
        %get3A_694 = arith.index_cast %add3A_644 : i32 to index
        %get3A_695 = arith.constant 112 : index
        %get3A_696 = tpu.vector_load %arg6[%get3A_694, %get3A_695] {strides = array<i32>} : memref<256x128xf32, #tpu.memory_space<vmem>>, vector<16xf32>,
        %mul3A_697 = arith.mulf %get3A_696, %bitcast3A_640 : vector<16xf32>
        %swap3A_698 = arith.index_cast %add3A_644 : i32 to index
        %swap3A_699 = arith.constant 112 : index
        %swap3A_700 = tpu.vector_load %arg6[%swap3A_698, %swap3A_699] {strides = array<i32>} : memref<256x128xf32, #tpu.memory_space<vmem>>, vector<16xf32>,
        tpu.vector_store %arg6[%swap3A_698, %swap3A_699], %mul3A_697 {strides = array<i32>} : memref<256x128xf32, #tpu.memory_space<vmem>>, vector<16xf32>,
        %broadcast_in_dim3A_701 = vector.broadcast %add3A_95 : i32 to vector<16xi32>
        %add3A_702 = arith.constant 9 : i32
        %add3A_703 = arith.addi %mul3A_111, %add3A_702 : i32
        %broadcast_in_dim3A_704 = vector.broadcast %add3A_703 : i32 to vector<16xi32>
        %gather3A_705 = tpu.vector_load_idx %arg5[%broadcast_in_dim3A_701, %broadcast_in_dim3A_704] : memref<8x128xi32, #tpu.memory_space<vmem>>[vector<16xi32>, vector<16xi32>], vector<16xi32>,
        %bitcast3A_706 = vector.bitcast %gather3A_705 : vector<16xi32> to vector<16xf32>
        %mul3A_707 = arith.constant 16 : i32
        %mul3A_708 = arith.muli %add3A_77, %mul3A_707 : i32
        %add3A_709 = arith.constant 9 : i32
        %add3A_710 = arith.addi %mul3A_708, %add3A_709 : i32
        %get3A_711 = arith.index_cast %add3A_710 : i32 to index
        %get3A_712 = arith.constant 0 : index
        %get3A_713 = tpu.vector_load %arg6[%get3A_711, %get3A_712] {strides = array<i32>} : memref<256x128xf32, #tpu.memory_space<vmem>>, vector<16xf32>,
        %mul3A_714 = arith.mulf %get3A_713, %bitcast3A_706 : vector<16xf32>
        %swap3A_715 = arith.index_cast %add3A_710 : i32 to index
        %swap3A_716 = arith.constant 0 : index
        %swap3A_717 = tpu.vector_load %arg6[%swap3A_715, %swap3A_716] {strides = array<i32>} : memref<256x128xf32, #tpu.memory_space<vmem>>, vector<16xf32>,
        tpu.vector_store %arg6[%swap3A_715, %swap3A_716], %mul3A_714 {strides = array<i32>} : memref<256x128xf32, #tpu.memory_space<vmem>>, vector<16xf32>,
        %get3A_718 = arith.index_cast %add3A_710 : i32 to index
        %get3A_719 = arith.constant 16 : index
        %get3A_720 = tpu.vector_load %arg6[%get3A_718, %get3A_719] {strides = array<i32>} : memref<256x128xf32, #tpu.memory_space<vmem>>, vector<16xf32>,
        %mul3A_721 = arith.mulf %get3A_720, %bitcast3A_706 : vector<16xf32>
        %swap3A_722 = arith.index_cast %add3A_710 : i32 to index
        %swap3A_723 = arith.constant 16 : index
        %swap3A_724 = tpu.vector_load %arg6[%swap3A_722, %swap3A_723] {strides = array<i32>} : memref<256x128xf32, #tpu.memory_space<vmem>>, vector<16xf32>,
        tpu.vector_store %arg6[%swap3A_722, %swap3A_723], %mul3A_721 {strides = array<i32>} : memref<256x128xf32, #tpu.memory_space<vmem>>, vector<16xf32>,
        %get3A_725 = arith.index_cast %add3A_710 : i32 to index
        %get3A_726 = arith.constant 32 : index
        %get3A_727 = tpu.vector_load %arg6[%get3A_725, %get3A_726] {strides = array<i32>} : memref<256x128xf32, #tpu.memory_space<vmem>>, vector<16xf32>,
        %mul3A_728 = arith.mulf %get3A_727, %bitcast3A_706 : vector<16xf32>
        %swap3A_729 = arith.index_cast %add3A_710 : i32 to index
        %swap3A_730 = arith.constant 32 : index
        %swap3A_731 = tpu.vector_load %arg6[%swap3A_729, %swap3A_730] {strides = array<i32>} : memref<256x128xf32, #tpu.memory_space<vmem>>, vector<16xf32>,
        tpu.vector_store %arg6[%swap3A_729, %swap3A_730], %mul3A_728 {strides = array<i32>} : memref<256x128xf32, #tpu.memory_space<vmem>>, vector<16xf32>,
        %get3A_732 = arith.index_cast %add3A_710 : i32 to index
        %get3A_733 = arith.constant 48 : index
        %get3A_734 = tpu.vector_load %arg6[%get3A_732, %get3A_733] {strides = array<i32>} : memref<256x128xf32, #tpu.memory_space<vmem>>, vector<16xf32>,
        %mul3A_735 = arith.mulf %get3A_734, %bitcast3A_706 : vector<16xf32>
        %swap3A_736 = arith.index_cast %add3A_710 : i32 to index
        %swap3A_737 = arith.constant 48 : index
        %swap3A_738 = tpu.vector_load %arg6[%swap3A_736, %swap3A_737] {strides = array<i32>} : memref<256x128xf32, #tpu.memory_space<vmem>>, vector<16xf32>,
        tpu.vector_store %arg6[%swap3A_736, %swap3A_737], %mul3A_735 {strides = array<i32>} : memref<256x128xf32, #tpu.memory_space<vmem>>, vector<16xf32>,
        %get3A_739 = arith.index_cast %add3A_710 : i32 to index
        %get3A_740 = arith.constant 64 : index
        %get3A_741 = tpu.vector_load %arg6[%get3A_739, %get3A_740] {strides = array<i32>} : memref<256x128xf32, #tpu.memory_space<vmem>>, vector<16xf32>,
        %mul3A_742 = arith.mulf %get3A_741, %bitcast3A_706 : vector<16xf32>
        %swap3A_743 = arith.index_cast %add3A_710 : i32 to index
        %swap3A_744 = arith.constant 64 : index
        %swap3A_745 = tpu.vector_load %arg6[%swap3A_743, %swap3A_744] {strides = array<i32>} : memref<256x128xf32, #tpu.memory_space<vmem>>, vector<16xf32>,
        tpu.vector_store %arg6[%swap3A_743, %swap3A_744], %mul3A_742 {strides = array<i32>} : memref<256x128xf32, #tpu.memory_space<vmem>>, vector<16xf32>,
        %get3A_746 = arith.index_cast %add3A_710 : i32 to index
        %get3A_747 = arith.constant 80 : index
        %get3A_748 = tpu.vector_load %arg6[%get3A_746, %get3A_747] {strides = array<i32>} : memref<256x128xf32, #tpu.memory_space<vmem>>, vector<16xf32>,
        %mul3A_749 = arith.mulf %get3A_748, %bitcast3A_706 : vector<16xf32>
        %swap3A_750 = arith.index_cast %add3A_710 : i32 to index
        %swap3A_751 = arith.constant 80 : index
        %swap3A_752 = tpu.vector_load %arg6[%swap3A_750, %swap3A_751] {strides = array<i32>} : memref<256x128xf32, #tpu.memory_space<vmem>>, vector<16xf32>,
        tpu.vector_store %arg6[%swap3A_750, %swap3A_751], %mul3A_749 {strides = array<i32>} : memref<256x128xf32, #tpu.memory_space<vmem>>, vector<16xf32>,
        %get3A_753 = arith.index_cast %add3A_710 : i32 to index
        %get3A_754 = arith.constant 96 : index
        %get3A_755 = tpu.vector_load %arg6[%get3A_753, %get3A_754] {strides = array<i32>} : memref<256x128xf32, #tpu.memory_space<vmem>>, vector<16xf32>,
        %mul3A_756 = arith.mulf %get3A_755, %bitcast3A_706 : vector<16xf32>
        %swap3A_757 = arith.index_cast %add3A_710 : i32 to index
        %swap3A_758 = arith.constant 96 : index
        %swap3A_759 = tpu.vector_load %arg6[%swap3A_757, %swap3A_758] {strides = array<i32>} : memref<256x128xf32, #tpu.memory_space<vmem>>, vector<16xf32>,
        tpu.vector_store %arg6[%swap3A_757, %swap3A_758], %mul3A_756 {strides = array<i32>} : memref<256x128xf32, #tpu.memory_space<vmem>>, vector<16xf32>,
        %get3A_760 = arith.index_cast %add3A_710 : i32 to index
        %get3A_761 = arith.constant 112 : index
        %get3A_762 = tpu.vector_load %arg6[%get3A_760, %get3A_761] {strides = array<i32>} : memref<256x128xf32, #tpu.memory_space<vmem>>, vector<16xf32>,
        %mul3A_763 = arith.mulf %get3A_762, %bitcast3A_706 : vector<16xf32>
        %swap3A_764 = arith.index_cast %add3A_710 : i32 to index
        %swap3A_765 = arith.constant 112 : index
        %swap3A_766 = tpu.vector_load %arg6[%swap3A_764, %swap3A_765] {strides = array<i32>} : memref<256x128xf32, #tpu.memory_space<vmem>>, vector<16xf32>,
        tpu.vector_store %arg6[%swap3A_764, %swap3A_765], %mul3A_763 {strides = array<i32>} : memref<256x128xf32, #tpu.memory_space<vmem>>, vector<16xf32>,
        %broadcast_in_dim3A_767 = vector.broadcast %add3A_95 : i32 to vector<16xi32>
        %add3A_768 = arith.constant 10 : i32
        %add3A_769 = arith.addi %mul3A_111, %add3A_768 : i32
        %broadcast_in_dim3A_770 = vector.broadcast %add3A_769 : i32 to vector<16xi32>
        %gather3A_771 = tpu.vector_load_idx %arg5[%broadcast_in_dim3A_767, %broadcast_in_dim3A_770] : memref<8x128xi32, #tpu.memory_space<vmem>>[vector<16xi32>, vector<16xi32>], vector<16xi32>,
        %bitcast3A_772 = vector.bitcast %gather3A_771 : vector<16xi32> to vector<16xf32>
        %mul3A_773 = arith.constant 16 : i32
        %mul3A_774 = arith.muli %add3A_77, %mul3A_773 : i32
        %add3A_775 = arith.constant 10 : i32
        %add3A_776 = arith.addi %mul3A_774, %add3A_775 : i32
        %get3A_777 = arith.index_cast %add3A_776 : i32 to index
        %get3A_778 = arith.constant 0 : index
        %get3A_779 = tpu.vector_load %arg6[%get3A_777, %get3A_778] {strides = array<i32>} : memref<256x128xf32, #tpu.memory_space<vmem>>, vector<16xf32>,
        %mul3A_780 = arith.mulf %get3A_779, %bitcast3A_772 : vector<16xf32>
        %swap3A_781 = arith.index_cast %add3A_776 : i32 to index
        %swap3A_782 = arith.constant 0 : index
        %swap3A_783 = tpu.vector_load %arg6[%swap3A_781, %swap3A_782] {strides = array<i32>} : memref<256x128xf32, #tpu.memory_space<vmem>>, vector<16xf32>,
        tpu.vector_store %arg6[%swap3A_781, %swap3A_782], %mul3A_780 {strides = array<i32>} : memref<256x128xf32, #tpu.memory_space<vmem>>, vector<16xf32>,
        %get3A_784 = arith.index_cast %add3A_776 : i32 to index
        %get3A_785 = arith.constant 16 : index
        %get3A_786 = tpu.vector_load %arg6[%get3A_784, %get3A_785] {strides = array<i32>} : memref<256x128xf32, #tpu.memory_space<vmem>>, vector<16xf32>,
        %mul3A_787 = arith.mulf %get3A_786, %bitcast3A_772 : vector<16xf32>
        %swap3A_788 = arith.index_cast %add3A_776 : i32 to index
        %swap3A_789 = arith.constant 16 : index
        %swap3A_790 = tpu.vector_load %arg6[%swap3A_788, %swap3A_789] {strides = array<i32>} : memref<256x128xf32, #tpu.memory_space<vmem>>, vector<16xf32>,
        tpu.vector_store %arg6[%swap3A_788, %swap3A_789], %mul3A_787 {strides = array<i32>} : memref<256x128xf32, #tpu.memory_space<vmem>>, vector<16xf32>,
        %get3A_791 = arith.index_cast %add3A_776 : i32 to index
        %get3A_792 = arith.constant 32 : index
        %get3A_793 = tpu.vector_load %arg6[%get3A_791, %get3A_792] {strides = array<i32>} : memref<256x128xf32, #tpu.memory_space<vmem>>, vector<16xf32>,
        %mul3A_794 = arith.mulf %get3A_793, %bitcast3A_772 : vector<16xf32>
        %swap3A_795 = arith.index_cast %add3A_776 : i32 to index
        %swap3A_796 = arith.constant 32 : index
        %swap3A_797 = tpu.vector_load %arg6[%swap3A_795, %swap3A_796] {strides = array<i32>} : memref<256x128xf32, #tpu.memory_space<vmem>>, vector<16xf32>,
        tpu.vector_store %arg6[%swap3A_795, %swap3A_796], %mul3A_794 {strides = array<i32>} : memref<256x128xf32, #tpu.memory_space<vmem>>, vector<16xf32>,
        %get3A_798 = arith.index_cast %add3A_776 : i32 to index
        %get3A_799 = arith.constant 48 : index
        %get3A_800 = tpu.vector_load %arg6[%get3A_798, %get3A_799] {strides = array<i32>} : memref<256x128xf32, #tpu.memory_space<vmem>>, vector<16xf32>,
        %mul3A_801 = arith.mulf %get3A_800, %bitcast3A_772 : vector<16xf32>
        %swap3A_802 = arith.index_cast %add3A_776 : i32 to index
        %swap3A_803 = arith.constant 48 : index
        %swap3A_804 = tpu.vector_load %arg6[%swap3A_802, %swap3A_803] {strides = array<i32>} : memref<256x128xf32, #tpu.memory_space<vmem>>, vector<16xf32>,
        tpu.vector_store %arg6[%swap3A_802, %swap3A_803], %mul3A_801 {strides = array<i32>} : memref<256x128xf32, #tpu.memory_space<vmem>>, vector<16xf32>,
        %get3A_805 = arith.index_cast %add3A_776 : i32 to index
        %get3A_806 = arith.constant 64 : index
        %get3A_807 = tpu.vector_load %arg6[%get3A_805, %get3A_806] {strides = array<i32>} : memref<256x128xf32, #tpu.memory_space<vmem>>, vector<16xf32>,
        %mul3A_808 = arith.mulf %get3A_807, %bitcast3A_772 : vector<16xf32>
        %swap3A_809 = arith.index_cast %add3A_776 : i32 to index
        %swap3A_810 = arith.constant 64 : index
        %swap3A_811 = tpu.vector_load %arg6[%swap3A_809, %swap3A_810] {strides = array<i32>} : memref<256x128xf32, #tpu.memory_space<vmem>>, vector<16xf32>,
        tpu.vector_store %arg6[%swap3A_809, %swap3A_810], %mul3A_808 {strides = array<i32>} : memref<256x128xf32, #tpu.memory_space<vmem>>, vector<16xf32>,
        %get3A_812 = arith.index_cast %add3A_776 : i32 to index
        %get3A_813 = arith.constant 80 : index
        %get3A_814 = tpu.vector_load %arg6[%get3A_812, %get3A_813] {strides = array<i32>} : memref<256x128xf32, #tpu.memory_space<vmem>>, vector<16xf32>,
        %mul3A_815 = arith.mulf %get3A_814, %bitcast3A_772 : vector<16xf32>
        %swap3A_816 = arith.index_cast %add3A_776 : i32 to index
        %swap3A_817 = arith.constant 80 : index
        %swap3A_818 = tpu.vector_load %arg6[%swap3A_816, %swap3A_817] {strides = array<i32>} : memref<256x128xf32, #tpu.memory_space<vmem>>, vector<16xf32>,
        tpu.vector_store %arg6[%swap3A_816, %swap3A_817], %mul3A_815 {strides = array<i32>} : memref<256x128xf32, #tpu.memory_space<vmem>>, vector<16xf32>,
        %get3A_819 = arith.index_cast %add3A_776 : i32 to index
        %get3A_820 = arith.constant 96 : index
        %get3A_821 = tpu.vector_load %arg6[%get3A_819, %get3A_820] {strides = array<i32>} : memref<256x128xf32, #tpu.memory_space<vmem>>, vector<16xf32>,
        %mul3A_822 = arith.mulf %get3A_821, %bitcast3A_772 : vector<16xf32>
        %swap3A_823 = arith.index_cast %add3A_776 : i32 to index
        %swap3A_824 = arith.constant 96 : index
        %swap3A_825 = tpu.vector_load %arg6[%swap3A_823, %swap3A_824] {strides = array<i32>} : memref<256x128xf32, #tpu.memory_space<vmem>>, vector<16xf32>,
        tpu.vector_store %arg6[%swap3A_823, %swap3A_824], %mul3A_822 {strides = array<i32>} : memref<256x128xf32, #tpu.memory_space<vmem>>, vector<16xf32>,
        %get3A_826 = arith.index_cast %add3A_776 : i32 to index
        %get3A_827 = arith.constant 112 : index
        %get3A_828 = tpu.vector_load %arg6[%get3A_826, %get3A_827] {strides = array<i32>} : memref<256x128xf32, #tpu.memory_space<vmem>>, vector<16xf32>,
        %mul3A_829 = arith.mulf %get3A_828, %bitcast3A_772 : vector<16xf32>
        %swap3A_830 = arith.index_cast %add3A_776 : i32 to index
        %swap3A_831 = arith.constant 112 : index
        %swap3A_832 = tpu.vector_load %arg6[%swap3A_830, %swap3A_831] {strides = array<i32>} : memref<256x128xf32, #tpu.memory_space<vmem>>, vector<16xf32>,
        tpu.vector_store %arg6[%swap3A_830, %swap3A_831], %mul3A_829 {strides = array<i32>} : memref<256x128xf32, #tpu.memory_space<vmem>>, vector<16xf32>,
        %broadcast_in_dim3A_833 = vector.broadcast %add3A_95 : i32 to vector<16xi32>
        %add3A_834 = arith.constant 11 : i32
        %add3A_835 = arith.addi %mul3A_111, %add3A_834 : i32
        %broadcast_in_dim3A_836 = vector.broadcast %add3A_835 : i32 to vector<16xi32>
        %gather3A_837 = tpu.vector_load_idx %arg5[%broadcast_in_dim3A_833, %broadcast_in_dim3A_836] : memref<8x128xi32, #tpu.memory_space<vmem>>[vector<16xi32>, vector<16xi32>], vector<16xi32>,
        %bitcast3A_838 = vector.bitcast %gather3A_837 : vector<16xi32> to vector<16xf32>
        %mul3A_839 = arith.constant 16 : i32
        %mul3A_840 = arith.muli %add3A_77, %mul3A_839 : i32
        %add3A_841 = arith.constant 11 : i32
        %add3A_842 = arith.addi %mul3A_840, %add3A_841 : i32
        %get3A_843 = arith.index_cast %add3A_842 : i32 to index
        %get3A_844 = arith.constant 0 : index
        %get3A_845 = tpu.vector_load %arg6[%get3A_843, %get3A_844] {strides = array<i32>} : memref<256x128xf32, #tpu.memory_space<vmem>>, vector<16xf32>,
        %mul3A_846 = arith.mulf %get3A_845, %bitcast3A_838 : vector<16xf32>
        %swap3A_847 = arith.index_cast %add3A_842 : i32 to index
        %swap3A_848 = arith.constant 0 : index
        %swap3A_849 = tpu.vector_load %arg6[%swap3A_847, %swap3A_848] {strides = array<i32>} : memref<256x128xf32, #tpu.memory_space<vmem>>, vector<16xf32>,
        tpu.vector_store %arg6[%swap3A_847, %swap3A_848], %mul3A_846 {strides = array<i32>} : memref<256x128xf32, #tpu.memory_space<vmem>>, vector<16xf32>,
        %get3A_850 = arith.index_cast %add3A_842 : i32 to index
        %get3A_851 = arith.constant 16 : index
        %get3A_852 = tpu.vector_load %arg6[%get3A_850, %get3A_851] {strides = array<i32>} : memref<256x128xf32, #tpu.memory_space<vmem>>, vector<16xf32>,
        %mul3A_853 = arith.mulf %get3A_852, %bitcast3A_838 : vector<16xf32>
        %swap3A_854 = arith.index_cast %add3A_842 : i32 to index
        %swap3A_855 = arith.constant 16 : index
        %swap3A_856 = tpu.vector_load %arg6[%swap3A_854, %swap3A_855] {strides = array<i32>} : memref<256x128xf32, #tpu.memory_space<vmem>>, vector<16xf32>,
        tpu.vector_store %arg6[%swap3A_854, %swap3A_855], %mul3A_853 {strides = array<i32>} : memref<256x128xf32, #tpu.memory_space<vmem>>, vector<16xf32>,
        %get3A_857 = arith.index_cast %add3A_842 : i32 to index
        %get3A_858 = arith.constant 32 : index
        %get3A_859 = tpu.vector_load %arg6[%get3A_857, %get3A_858] {strides = array<i32>} : memref<256x128xf32, #tpu.memory_space<vmem>>, vector<16xf32>,
        %mul3A_860 = arith.mulf %get3A_859, %bitcast3A_838 : vector<16xf32>
        %swap3A_861 = arith.index_cast %add3A_842 : i32 to index
        %swap3A_862 = arith.constant 32 : index
        %swap3A_863 = tpu.vector_load %arg6[%swap3A_861, %swap3A_862] {strides = array<i32>} : memref<256x128xf32, #tpu.memory_space<vmem>>, vector<16xf32>,
        tpu.vector_store %arg6[%swap3A_861, %swap3A_862], %mul3A_860 {strides = array<i32>} : memref<256x128xf32, #tpu.memory_space<vmem>>, vector<16xf32>,
        %get3A_864 = arith.index_cast %add3A_842 : i32 to index
        %get3A_865 = arith.constant 48 : index
        %get3A_866 = tpu.vector_load %arg6[%get3A_864, %get3A_865] {strides = array<i32>} : memref<256x128xf32, #tpu.memory_space<vmem>>, vector<16xf32>,
        %mul3A_867 = arith.mulf %get3A_866, %bitcast3A_838 : vector<16xf32>
        %swap3A_868 = arith.index_cast %add3A_842 : i32 to index
        %swap3A_869 = arith.constant 48 : index
        %swap3A_870 = tpu.vector_load %arg6[%swap3A_868, %swap3A_869] {strides = array<i32>} : memref<256x128xf32, #tpu.memory_space<vmem>>, vector<16xf32>,
        tpu.vector_store %arg6[%swap3A_868, %swap3A_869], %mul3A_867 {strides = array<i32>} : memref<256x128xf32, #tpu.memory_space<vmem>>, vector<16xf32>,
        %get3A_871 = arith.index_cast %add3A_842 : i32 to index
        %get3A_872 = arith.constant 64 : index
        %get3A_873 = tpu.vector_load %arg6[%get3A_871, %get3A_872] {strides = array<i32>} : memref<256x128xf32, #tpu.memory_space<vmem>>, vector<16xf32>,
        %mul3A_874 = arith.mulf %get3A_873, %bitcast3A_838 : vector<16xf32>
        %swap3A_875 = arith.index_cast %add3A_842 : i32 to index
        %swap3A_876 = arith.constant 64 : index
        %swap3A_877 = tpu.vector_load %arg6[%swap3A_875, %swap3A_876] {strides = array<i32>} : memref<256x128xf32, #tpu.memory_space<vmem>>, vector<16xf32>,
        tpu.vector_store %arg6[%swap3A_875, %swap3A_876], %mul3A_874 {strides = array<i32>} : memref<256x128xf32, #tpu.memory_space<vmem>>, vector<16xf32>,
        %get3A_878 = arith.index_cast %add3A_842 : i32 to index
        %get3A_879 = arith.constant 80 : index
        %get3A_880 = tpu.vector_load %arg6[%get3A_878, %get3A_879] {strides = array<i32>} : memref<256x128xf32, #tpu.memory_space<vmem>>, vector<16xf32>,
        %mul3A_881 = arith.mulf %get3A_880, %bitcast3A_838 : vector<16xf32>
        %swap3A_882 = arith.index_cast %add3A_842 : i32 to index
        %swap3A_883 = arith.constant 80 : index
        %swap3A_884 = tpu.vector_load %arg6[%swap3A_882, %swap3A_883] {strides = array<i32>} : memref<256x128xf32, #tpu.memory_space<vmem>>, vector<16xf32>,
        tpu.vector_store %arg6[%swap3A_882, %swap3A_883], %mul3A_881 {strides = array<i32>} : memref<256x128xf32, #tpu.memory_space<vmem>>, vector<16xf32>,
        %get3A_885 = arith.index_cast %add3A_842 : i32 to index
        %get3A_886 = arith.constant 96 : index
        %get3A_887 = tpu.vector_load %arg6[%get3A_885, %get3A_886] {strides = array<i32>} : memref<256x128xf32, #tpu.memory_space<vmem>>, vector<16xf32>,
        %mul3A_888 = arith.mulf %get3A_887, %bitcast3A_838 : vector<16xf32>
        %swap3A_889 = arith.index_cast %add3A_842 : i32 to index
        %swap3A_890 = arith.constant 96 : index
        %swap3A_891 = tpu.vector_load %arg6[%swap3A_889, %swap3A_890] {strides = array<i32>} : memref<256x128xf32, #tpu.memory_space<vmem>>, vector<16xf32>,
        tpu.vector_store %arg6[%swap3A_889, %swap3A_890], %mul3A_888 {strides = array<i32>} : memref<256x128xf32, #tpu.memory_space<vmem>>, vector<16xf32>,
        %get3A_892 = arith.index_cast %add3A_842 : i32 to index
        %get3A_893 = arith.constant 112 : index
        %get3A_894 = tpu.vector_load %arg6[%get3A_892, %get3A_893] {strides = array<i32>} : memref<256x128xf32, #tpu.memory_space<vmem>>, vector<16xf32>,
        %mul3A_895 = arith.mulf %get3A_894, %bitcast3A_838 : vector<16xf32>
        %swap3A_896 = arith.index_cast %add3A_842 : i32 to index
        %swap3A_897 = arith.constant 112 : index
        %swap3A_898 = tpu.vector_load %arg6[%swap3A_896, %swap3A_897] {strides = array<i32>} : memref<256x128xf32, #tpu.memory_space<vmem>>, vector<16xf32>,
        tpu.vector_store %arg6[%swap3A_896, %swap3A_897], %mul3A_895 {strides = array<i32>} : memref<256x128xf32, #tpu.memory_space<vmem>>, vector<16xf32>,
        %broadcast_in_dim3A_899 = vector.broadcast %add3A_95 : i32 to vector<16xi32>
        %add3A_900 = arith.constant 12 : i32
        %add3A_901 = arith.addi %mul3A_111, %add3A_900 : i32
        %broadcast_in_dim3A_902 = vector.broadcast %add3A_901 : i32 to vector<16xi32>
        %gather3A_903 = tpu.vector_load_idx %arg5[%broadcast_in_dim3A_899, %broadcast_in_dim3A_902] : memref<8x128xi32, #tpu.memory_space<vmem>>[vector<16xi32>, vector<16xi32>], vector<16xi32>,
        %bitcast3A_904 = vector.bitcast %gather3A_903 : vector<16xi32> to vector<16xf32>
        %mul3A_905 = arith.constant 16 : i32
        %mul3A_906 = arith.muli %add3A_77, %mul3A_905 : i32
        %add3A_907 = arith.constant 12 : i32
        %add3A_908 = arith.addi %mul3A_906, %add3A_907 : i32
        %get3A_909 = arith.index_cast %add3A_908 : i32 to index
        %get3A_910 = arith.constant 0 : index
        %get3A_911 = tpu.vector_load %arg6[%get3A_909, %get3A_910] {strides = array<i32>} : memref<256x128xf32, #tpu.memory_space<vmem>>, vector<16xf32>,
        %mul3A_912 = arith.mulf %get3A_911, %bitcast3A_904 : vector<16xf32>
        %swap3A_913 = arith.index_cast %add3A_908 : i32 to index
        %swap3A_914 = arith.constant 0 : index
        %swap3A_915 = tpu.vector_load %arg6[%swap3A_913, %swap3A_914] {strides = array<i32>} : memref<256x128xf32, #tpu.memory_space<vmem>>, vector<16xf32>,
        tpu.vector_store %arg6[%swap3A_913, %swap3A_914], %mul3A_912 {strides = array<i32>} : memref<256x128xf32, #tpu.memory_space<vmem>>, vector<16xf32>,
        %get3A_916 = arith.index_cast %add3A_908 : i32 to index
        %get3A_917 = arith.constant 16 : index
        %get3A_918 = tpu.vector_load %arg6[%get3A_916, %get3A_917] {strides = array<i32>} : memref<256x128xf32, #tpu.memory_space<vmem>>, vector<16xf32>,
        %mul3A_919 = arith.mulf %get3A_918, %bitcast3A_904 : vector<16xf32>
        %swap3A_920 = arith.index_cast %add3A_908 : i32 to index
        %swap3A_921 = arith.constant 16 : index
        %swap3A_922 = tpu.vector_load %arg6[%swap3A_920, %swap3A_921] {strides = array<i32>} : memref<256x128xf32, #tpu.memory_space<vmem>>, vector<16xf32>,
        tpu.vector_store %arg6[%swap3A_920, %swap3A_921], %mul3A_919 {strides = array<i32>} : memref<256x128xf32, #tpu.memory_space<vmem>>, vector<16xf32>,
        %get3A_923 = arith.index_cast %add3A_908 : i32 to index
        %get3A_924 = arith.constant 32 : index
        %get3A_925 = tpu.vector_load %arg6[%get3A_923, %get3A_924] {strides = array<i32>} : memref<256x128xf32, #tpu.memory_space<vmem>>, vector<16xf32>,
        %mul3A_926 = arith.mulf %get3A_925, %bitcast3A_904 : vector<16xf32>
        %swap3A_927 = arith.index_cast %add3A_908 : i32 to index
        %swap3A_928 = arith.constant 32 : index
        %swap3A_929 = tpu.vector_load %arg6[%swap3A_927, %swap3A_928] {strides = array<i32>} : memref<256x128xf32, #tpu.memory_space<vmem>>, vector<16xf32>,
        tpu.vector_store %arg6[%swap3A_927, %swap3A_928], %mul3A_926 {strides = array<i32>} : memref<256x128xf32, #tpu.memory_space<vmem>>, vector<16xf32>,
        %get3A_930 = arith.index_cast %add3A_908 : i32 to index
        %get3A_931 = arith.constant 48 : index
        %get3A_932 = tpu.vector_load %arg6[%get3A_930, %get3A_931] {strides = array<i32>} : memref<256x128xf32, #tpu.memory_space<vmem>>, vector<16xf32>,
        %mul3A_933 = arith.mulf %get3A_932, %bitcast3A_904 : vector<16xf32>
        %swap3A_934 = arith.index_cast %add3A_908 : i32 to index
        %swap3A_935 = arith.constant 48 : index
        %swap3A_936 = tpu.vector_load %arg6[%swap3A_934, %swap3A_935] {strides = array<i32>} : memref<256x128xf32, #tpu.memory_space<vmem>>, vector<16xf32>,
        tpu.vector_store %arg6[%swap3A_934, %swap3A_935], %mul3A_933 {strides = array<i32>} : memref<256x128xf32, #tpu.memory_space<vmem>>, vector<16xf32>,
        %get3A_937 = arith.index_cast %add3A_908 : i32 to index
        %get3A_938 = arith.constant 64 : index
        %get3A_939 = tpu.vector_load %arg6[%get3A_937, %get3A_938] {strides = array<i32>} : memref<256x128xf32, #tpu.memory_space<vmem>>, vector<16xf32>,
        %mul3A_940 = arith.mulf %get3A_939, %bitcast3A_904 : vector<16xf32>
        %swap3A_941 = arith.index_cast %add3A_908 : i32 to index
        %swap3A_942 = arith.constant 64 : index
        %swap3A_943 = tpu.vector_load %arg6[%swap3A_941, %swap3A_942] {strides = array<i32>} : memref<256x128xf32, #tpu.memory_space<vmem>>, vector<16xf32>,
        tpu.vector_store %arg6[%swap3A_941, %swap3A_942], %mul3A_940 {strides = array<i32>} : memref<256x128xf32, #tpu.memory_space<vmem>>, vector<16xf32>,
        %get3A_944 = arith.index_cast %add3A_908 : i32 to index
        %get3A_945 = arith.constant 80 : index
        %get3A_946 = tpu.vector_load %arg6[%get3A_944, %get3A_945] {strides = array<i32>} : memref<256x128xf32, #tpu.memory_space<vmem>>, vector<16xf32>,
        %mul3A_947 = arith.mulf %get3A_946, %bitcast3A_904 : vector<16xf32>
        %swap3A_948 = arith.index_cast %add3A_908 : i32 to index
        %swap3A_949 = arith.constant 80 : index
        %swap3A_950 = tpu.vector_load %arg6[%swap3A_948, %swap3A_949] {strides = array<i32>} : memref<256x128xf32, #tpu.memory_space<vmem>>, vector<16xf32>,
        tpu.vector_store %arg6[%swap3A_948, %swap3A_949], %mul3A_947 {strides = array<i32>} : memref<256x128xf32, #tpu.memory_space<vmem>>, vector<16xf32>,
        %get3A_951 = arith.index_cast %add3A_908 : i32 to index
        %get3A_952 = arith.constant 96 : index
        %get3A_953 = tpu.vector_load %arg6[%get3A_951, %get3A_952] {strides = array<i32>} : memref<256x128xf32, #tpu.memory_space<vmem>>, vector<16xf32>,
        %mul3A_954 = arith.mulf %get3A_953, %bitcast3A_904 : vector<16xf32>
        %swap3A_955 = arith.index_cast %add3A_908 : i32 to index
        %swap3A_956 = arith.constant 96 : index
        %swap3A_957 = tpu.vector_load %arg6[%swap3A_955, %swap3A_956] {strides = array<i32>} : memref<256x128xf32, #tpu.memory_space<vmem>>, vector<16xf32>,
        tpu.vector_store %arg6[%swap3A_955, %swap3A_956], %mul3A_954 {strides = array<i32>} : memref<256x128xf32, #tpu.memory_space<vmem>>, vector<16xf32>,
        %get3A_958 = arith.index_cast %add3A_908 : i32 to index
        %get3A_959 = arith.constant 112 : index
        %get3A_960 = tpu.vector_load %arg6[%get3A_958, %get3A_959] {strides = array<i32>} : memref<256x128xf32, #tpu.memory_space<vmem>>, vector<16xf32>,
        %mul3A_961 = arith.mulf %get3A_960, %bitcast3A_904 : vector<16xf32>
        %swap3A_962 = arith.index_cast %add3A_908 : i32 to index
        %swap3A_963 = arith.constant 112 : index
        %swap3A_964 = tpu.vector_load %arg6[%swap3A_962, %swap3A_963] {strides = array<i32>} : memref<256x128xf32, #tpu.memory_space<vmem>>, vector<16xf32>,
        tpu.vector_store %arg6[%swap3A_962, %swap3A_963], %mul3A_961 {strides = array<i32>} : memref<256x128xf32, #tpu.memory_space<vmem>>, vector<16xf32>,
        %broadcast_in_dim3A_965 = vector.broadcast %add3A_95 : i32 to vector<16xi32>
        %add3A_966 = arith.constant 13 : i32
        %add3A_967 = arith.addi %mul3A_111, %add3A_966 : i32
        %broadcast_in_dim3A_968 = vector.broadcast %add3A_967 : i32 to vector<16xi32>
        %gather3A_969 = tpu.vector_load_idx %arg5[%broadcast_in_dim3A_965, %broadcast_in_dim3A_968] : memref<8x128xi32, #tpu.memory_space<vmem>>[vector<16xi32>, vector<16xi32>], vector<16xi32>,
        %bitcast3A_970 = vector.bitcast %gather3A_969 : vector<16xi32> to vector<16xf32>
        %mul3A_971 = arith.constant 16 : i32
        %mul3A_972 = arith.muli %add3A_77, %mul3A_971 : i32
        %add3A_973 = arith.constant 13 : i32
        %add3A_974 = arith.addi %mul3A_972, %add3A_973 : i32
        %get3A_975 = arith.index_cast %add3A_974 : i32 to index
        %get3A_976 = arith.constant 0 : index
        %get3A_977 = tpu.vector_load %arg6[%get3A_975, %get3A_976] {strides = array<i32>} : memref<256x128xf32, #tpu.memory_space<vmem>>, vector<16xf32>,
        %mul3A_978 = arith.mulf %get3A_977, %bitcast3A_970 : vector<16xf32>
        %swap3A_979 = arith.index_cast %add3A_974 : i32 to index
        %swap3A_980 = arith.constant 0 : index
        %swap3A_981 = tpu.vector_load %arg6[%swap3A_979, %swap3A_980] {strides = array<i32>} : memref<256x128xf32, #tpu.memory_space<vmem>>, vector<16xf32>,
        tpu.vector_store %arg6[%swap3A_979, %swap3A_980], %mul3A_978 {strides = array<i32>} : memref<256x128xf32, #tpu.memory_space<vmem>>, vector<16xf32>,
        %get3A_982 = arith.index_cast %add3A_974 : i32 to index
        %get3A_983 = arith.constant 16 : index
        %get3A_984 = tpu.vector_load %arg6[%get3A_982, %get3A_983] {strides = array<i32>} : memref<256x128xf32, #tpu.memory_space<vmem>>, vector<16xf32>,
        %mul3A_985 = arith.mulf %get3A_984, %bitcast3A_970 : vector<16xf32>
        %swap3A_986 = arith.index_cast %add3A_974 : i32 to index
        %swap3A_987 = arith.constant 16 : index
        %swap3A_988 = tpu.vector_load %arg6[%swap3A_986, %swap3A_987] {strides = array<i32>} : memref<256x128xf32, #tpu.memory_space<vmem>>, vector<16xf32>,
        tpu.vector_store %arg6[%swap3A_986, %swap3A_987], %mul3A_985 {strides = array<i32>} : memref<256x128xf32, #tpu.memory_space<vmem>>, vector<16xf32>,
        %get3A_989 = arith.index_cast %add3A_974 : i32 to index
        %get3A_990 = arith.constant 32 : index
        %get3A_991 = tpu.vector_load %arg6[%get3A_989, %get3A_990] {strides = array<i32>} : memref<256x128xf32, #tpu.memory_space<vmem>>, vector<16xf32>,
        %mul3A_992 = arith.mulf %get3A_991, %bitcast3A_970 : vector<16xf32>
        %swap3A_993 = arith.index_cast %add3A_974 : i32 to index
        %swap3A_994 = arith.constant 32 : index
        %swap3A_995 = tpu.vector_load %arg6[%swap3A_993, %swap3A_994] {strides = array<i32>} : memref<256x128xf32, #tpu.memory_space<vmem>>, vector<16xf32>,
        tpu.vector_store %arg6[%swap3A_993, %swap3A_994], %mul3A_992 {strides = array<i32>} : memref<256x128xf32, #tpu.memory_space<vmem>>, vector<16xf32>,
        %get3A_996 = arith.index_cast %add3A_974 : i32 to index
        %get3A_997 = arith.constant 48 : index
        %get3A_998 = tpu.vector_load %arg6[%get3A_996, %get3A_997] {strides = array<i32>} : memref<256x128xf32, #tpu.memory_space<vmem>>, vector<16xf32>,
        %mul3A_999 = arith.mulf %get3A_998, %bitcast3A_970 : vector<16xf32>
        %swap3A_1000 = arith.index_cast %add3A_974 : i32 to index
        %swap3A_1001 = arith.constant 48 : index
        %swap3A_1002 = tpu.vector_load %arg6[%swap3A_1000, %swap3A_1001] {strides = array<i32>} : memref<256x128xf32, #tpu.memory_space<vmem>>, vector<16xf32>,
        tpu.vector_store %arg6[%swap3A_1000, %swap3A_1001], %mul3A_999 {strides = array<i32>} : memref<256x128xf32, #tpu.memory_space<vmem>>, vector<16xf32>,
        %get3A_1003 = arith.index_cast %add3A_974 : i32 to index
        %get3A_1004 = arith.constant 64 : index
        %get3A_1005 = tpu.vector_load %arg6[%get3A_1003, %get3A_1004] {strides = array<i32>} : memref<256x128xf32, #tpu.memory_space<vmem>>, vector<16xf32>,
        %mul3A_1006 = arith.mulf %get3A_1005, %bitcast3A_970 : vector<16xf32>
        %swap3A_1007 = arith.index_cast %add3A_974 : i32 to index
        %swap3A_1008 = arith.constant 64 : index
        %swap3A_1009 = tpu.vector_load %arg6[%swap3A_1007, %swap3A_1008] {strides = array<i32>} : memref<256x128xf32, #tpu.memory_space<vmem>>, vector<16xf32>,
        tpu.vector_store %arg6[%swap3A_1007, %swap3A_1008], %mul3A_1006 {strides = array<i32>} : memref<256x128xf32, #tpu.memory_space<vmem>>, vector<16xf32>,
        %get3A_1010 = arith.index_cast %add3A_974 : i32 to index
        %get3A_1011 = arith.constant 80 : index
        %get3A_1012 = tpu.vector_load %arg6[%get3A_1010, %get3A_1011] {strides = array<i32>} : memref<256x128xf32, #tpu.memory_space<vmem>>, vector<16xf32>,
        %mul3A_1013 = arith.mulf %get3A_1012, %bitcast3A_970 : vector<16xf32>
        %swap3A_1014 = arith.index_cast %add3A_974 : i32 to index
        %swap3A_1015 = arith.constant 80 : index
        %swap3A_1016 = tpu.vector_load %arg6[%swap3A_1014, %swap3A_1015] {strides = array<i32>} : memref<256x128xf32, #tpu.memory_space<vmem>>, vector<16xf32>,
        tpu.vector_store %arg6[%swap3A_1014, %swap3A_1015], %mul3A_1013 {strides = array<i32>} : memref<256x128xf32, #tpu.memory_space<vmem>>, vector<16xf32>,
        %get3A_1017 = arith.index_cast %add3A_974 : i32 to index
        %get3A_1018 = arith.constant 96 : index
        %get3A_1019 = tpu.vector_load %arg6[%get3A_1017, %get3A_1018] {strides = array<i32>} : memref<256x128xf32, #tpu.memory_space<vmem>>, vector<16xf32>,
        %mul3A_1020 = arith.mulf %get3A_1019, %bitcast3A_970 : vector<16xf32>
        %swap3A_1021 = arith.index_cast %add3A_974 : i32 to index
        %swap3A_1022 = arith.constant 96 : index
        %swap3A_1023 = tpu.vector_load %arg6[%swap3A_1021, %swap3A_1022] {strides = array<i32>} : memref<256x128xf32, #tpu.memory_space<vmem>>, vector<16xf32>,
        tpu.vector_store %arg6[%swap3A_1021, %swap3A_1022], %mul3A_1020 {strides = array<i32>} : memref<256x128xf32, #tpu.memory_space<vmem>>, vector<16xf32>,
        %get3A_1024 = arith.index_cast %add3A_974 : i32 to index
        %get3A_1025 = arith.constant 112 : index
        %get3A_1026 = tpu.vector_load %arg6[%get3A_1024, %get3A_1025] {strides = array<i32>} : memref<256x128xf32, #tpu.memory_space<vmem>>, vector<16xf32>,
        %mul3A_1027 = arith.mulf %get3A_1026, %bitcast3A_970 : vector<16xf32>
        %swap3A_1028 = arith.index_cast %add3A_974 : i32 to index
        %swap3A_1029 = arith.constant 112 : index
        %swap3A_1030 = tpu.vector_load %arg6[%swap3A_1028, %swap3A_1029] {strides = array<i32>} : memref<256x128xf32, #tpu.memory_space<vmem>>, vector<16xf32>,
        tpu.vector_store %arg6[%swap3A_1028, %swap3A_1029], %mul3A_1027 {strides = array<i32>} : memref<256x128xf32, #tpu.memory_space<vmem>>, vector<16xf32>,
        %broadcast_in_dim3A_1031 = vector.broadcast %add3A_95 : i32 to vector<16xi32>
        %add3A_1032 = arith.constant 14 : i32
        %add3A_1033 = arith.addi %mul3A_111, %add3A_1032 : i32
        %broadcast_in_dim3A_1034 = vector.broadcast %add3A_1033 : i32 to vector<16xi32>
        %gather3A_1035 = tpu.vector_load_idx %arg5[%broadcast_in_dim3A_1031, %broadcast_in_dim3A_1034] : memref<8x128xi32, #tpu.memory_space<vmem>>[vector<16xi32>, vector<16xi32>], vector<16xi32>,
        %bitcast3A_1036 = vector.bitcast %gather3A_1035 : vector<16xi32> to vector<16xf32>
        %mul3A_1037 = arith.constant 16 : i32
        %mul3A_1038 = arith.muli %add3A_77, %mul3A_1037 : i32
        %add3A_1039 = arith.constant 14 : i32
        %add3A_1040 = arith.addi %mul3A_1038, %add3A_1039 : i32
        %get3A_1041 = arith.index_cast %add3A_1040 : i32 to index
        %get3A_1042 = arith.constant 0 : index
        %get3A_1043 = tpu.vector_load %arg6[%get3A_1041, %get3A_1042] {strides = array<i32>} : memref<256x128xf32, #tpu.memory_space<vmem>>, vector<16xf32>,
        %mul3A_1044 = arith.mulf %get3A_1043, %bitcast3A_1036 : vector<16xf32>
        %swap3A_1045 = arith.index_cast %add3A_1040 : i32 to index
        %swap3A_1046 = arith.constant 0 : index
        %swap3A_1047 = tpu.vector_load %arg6[%swap3A_1045, %swap3A_1046] {strides = array<i32>} : memref<256x128xf32, #tpu.memory_space<vmem>>, vector<16xf32>,
        tpu.vector_store %arg6[%swap3A_1045, %swap3A_1046], %mul3A_1044 {strides = array<i32>} : memref<256x128xf32, #tpu.memory_space<vmem>>, vector<16xf32>,
        %get3A_1048 = arith.index_cast %add3A_1040 : i32 to index
        %get3A_1049 = arith.constant 16 : index
        %get3A_1050 = tpu.vector_load %arg6[%get3A_1048, %get3A_1049] {strides = array<i32>} : memref<256x128xf32, #tpu.memory_space<vmem>>, vector<16xf32>,
        %mul3A_1051 = arith.mulf %get3A_1050, %bitcast3A_1036 : vector<16xf32>
        %swap3A_1052 = arith.index_cast %add3A_1040 : i32 to index
        %swap3A_1053 = arith.constant 16 : index
        %swap3A_1054 = tpu.vector_load %arg6[%swap3A_1052, %swap3A_1053] {strides = array<i32>} : memref<256x128xf32, #tpu.memory_space<vmem>>, vector<16xf32>,
        tpu.vector_store %arg6[%swap3A_1052, %swap3A_1053], %mul3A_1051 {strides = array<i32>} : memref<256x128xf32, #tpu.memory_space<vmem>>, vector<16xf32>,
        %get3A_1055 = arith.index_cast %add3A_1040 : i32 to index
        %get3A_1056 = arith.constant 32 : index
        %get3A_1057 = tpu.vector_load %arg6[%get3A_1055, %get3A_1056] {strides = array<i32>} : memref<256x128xf32, #tpu.memory_space<vmem>>, vector<16xf32>,
        %mul3A_1058 = arith.mulf %get3A_1057, %bitcast3A_1036 : vector<16xf32>
        %swap3A_1059 = arith.index_cast %add3A_1040 : i32 to index
        %swap3A_1060 = arith.constant 32 : index
        %swap3A_1061 = tpu.vector_load %arg6[%swap3A_1059, %swap3A_1060] {strides = array<i32>} : memref<256x128xf32, #tpu.memory_space<vmem>>, vector<16xf32>,
        tpu.vector_store %arg6[%swap3A_1059, %swap3A_1060], %mul3A_1058 {strides = array<i32>} : memref<256x128xf32, #tpu.memory_space<vmem>>, vector<16xf32>,
        %get3A_1062 = arith.index_cast %add3A_1040 : i32 to index
        %get3A_1063 = arith.constant 48 : index
        %get3A_1064 = tpu.vector_load %arg6[%get3A_1062, %get3A_1063] {strides = array<i32>} : memref<256x128xf32, #tpu.memory_space<vmem>>, vector<16xf32>,
        %mul3A_1065 = arith.mulf %get3A_1064, %bitcast3A_1036 : vector<16xf32>
        %swap3A_1066 = arith.index_cast %add3A_1040 : i32 to index
        %swap3A_1067 = arith.constant 48 : index
        %swap3A_1068 = tpu.vector_load %arg6[%swap3A_1066, %swap3A_1067] {strides = array<i32>} : memref<256x128xf32, #tpu.memory_space<vmem>>, vector<16xf32>,
        tpu.vector_store %arg6[%swap3A_1066, %swap3A_1067], %mul3A_1065 {strides = array<i32>} : memref<256x128xf32, #tpu.memory_space<vmem>>, vector<16xf32>,
        %get3A_1069 = arith.index_cast %add3A_1040 : i32 to index
        %get3A_1070 = arith.constant 64 : index
        %get3A_1071 = tpu.vector_load %arg6[%get3A_1069, %get3A_1070] {strides = array<i32>} : memref<256x128xf32, #tpu.memory_space<vmem>>, vector<16xf32>,
        %mul3A_1072 = arith.mulf %get3A_1071, %bitcast3A_1036 : vector<16xf32>
        %swap3A_1073 = arith.index_cast %add3A_1040 : i32 to index
        %swap3A_1074 = arith.constant 64 : index
        %swap3A_1075 = tpu.vector_load %arg6[%swap3A_1073, %swap3A_1074] {strides = array<i32>} : memref<256x128xf32, #tpu.memory_space<vmem>>, vector<16xf32>,
        tpu.vector_store %arg6[%swap3A_1073, %swap3A_1074], %mul3A_1072 {strides = array<i32>} : memref<256x128xf32, #tpu.memory_space<vmem>>, vector<16xf32>,
        %get3A_1076 = arith.index_cast %add3A_1040 : i32 to index
        %get3A_1077 = arith.constant 80 : index
        %get3A_1078 = tpu.vector_load %arg6[%get3A_1076, %get3A_1077] {strides = array<i32>} : memref<256x128xf32, #tpu.memory_space<vmem>>, vector<16xf32>,
        %mul3A_1079 = arith.mulf %get3A_1078, %bitcast3A_1036 : vector<16xf32>
        %swap3A_1080 = arith.index_cast %add3A_1040 : i32 to index
        %swap3A_1081 = arith.constant 80 : index
        %swap3A_1082 = tpu.vector_load %arg6[%swap3A_1080, %swap3A_1081] {strides = array<i32>} : memref<256x128xf32, #tpu.memory_space<vmem>>, vector<16xf32>,
        tpu.vector_store %arg6[%swap3A_1080, %swap3A_1081], %mul3A_1079 {strides = array<i32>} : memref<256x128xf32, #tpu.memory_space<vmem>>, vector<16xf32>,
        %get3A_1083 = arith.index_cast %add3A_1040 : i32 to index
        %get3A_1084 = arith.constant 96 : index
        %get3A_1085 = tpu.vector_load %arg6[%get3A_1083, %get3A_1084] {strides = array<i32>} : memref<256x128xf32, #tpu.memory_space<vmem>>, vector<16xf32>,
        %mul3A_1086 = arith.mulf %get3A_1085, %bitcast3A_1036 : vector<16xf32>
        %swap3A_1087 = arith.index_cast %add3A_1040 : i32 to index
        %swap3A_1088 = arith.constant 96 : index
        %swap3A_1089 = tpu.vector_load %arg6[%swap3A_1087, %swap3A_1088] {strides = array<i32>} : memref<256x128xf32, #tpu.memory_space<vmem>>, vector<16xf32>,
        tpu.vector_store %arg6[%swap3A_1087, %swap3A_1088], %mul3A_1086 {strides = array<i32>} : memref<256x128xf32, #tpu.memory_space<vmem>>, vector<16xf32>,
        %get3A_1090 = arith.index_cast %add3A_1040 : i32 to index
        %get3A_1091 = arith.constant 112 : index
        %get3A_1092 = tpu.vector_load %arg6[%get3A_1090, %get3A_1091] {strides = array<i32>} : memref<256x128xf32, #tpu.memory_space<vmem>>, vector<16xf32>,
        %mul3A_1093 = arith.mulf %get3A_1092, %bitcast3A_1036 : vector<16xf32>
        %swap3A_1094 = arith.index_cast %add3A_1040 : i32 to index
        %swap3A_1095 = arith.constant 112 : index
        %swap3A_1096 = tpu.vector_load %arg6[%swap3A_1094, %swap3A_1095] {strides = array<i32>} : memref<256x128xf32, #tpu.memory_space<vmem>>, vector<16xf32>,
        tpu.vector_store %arg6[%swap3A_1094, %swap3A_1095], %mul3A_1093 {strides = array<i32>} : memref<256x128xf32, #tpu.memory_space<vmem>>, vector<16xf32>,
        %broadcast_in_dim3A_1097 = vector.broadcast %add3A_95 : i32 to vector<16xi32>
        %add3A_1098 = arith.constant 15 : i32
        %add3A_1099 = arith.addi %mul3A_111, %add3A_1098 : i32
        %broadcast_in_dim3A_1100 = vector.broadcast %add3A_1099 : i32 to vector<16xi32>
        %gather3A_1101 = tpu.vector_load_idx %arg5[%broadcast_in_dim3A_1097, %broadcast_in_dim3A_1100] : memref<8x128xi32, #tpu.memory_space<vmem>>[vector<16xi32>, vector<16xi32>], vector<16xi32>,
        %bitcast3A_1102 = vector.bitcast %gather3A_1101 : vector<16xi32> to vector<16xf32>
        %mul3A_1103 = arith.constant 16 : i32
        %mul3A_1104 = arith.muli %add3A_77, %mul3A_1103 : i32
        %add3A_1105 = arith.constant 15 : i32
        %add3A_1106 = arith.addi %mul3A_1104, %add3A_1105 : i32
        %get3A_1107 = arith.index_cast %add3A_1106 : i32 to index
        %get3A_1108 = arith.constant 0 : index
        %get3A_1109 = tpu.vector_load %arg6[%get3A_1107, %get3A_1108] {strides = array<i32>} : memref<256x128xf32, #tpu.memory_space<vmem>>, vector<16xf32>,
        %mul3A_1110 = arith.mulf %get3A_1109, %bitcast3A_1102 : vector<16xf32>
        %swap3A_1111 = arith.index_cast %add3A_1106 : i32 to index
        %swap3A_1112 = arith.constant 0 : index
        %swap3A_1113 = tpu.vector_load %arg6[%swap3A_1111, %swap3A_1112] {strides = array<i32>} : memref<256x128xf32, #tpu.memory_space<vmem>>, vector<16xf32>,
        tpu.vector_store %arg6[%swap3A_1111, %swap3A_1112], %mul3A_1110 {strides = array<i32>} : memref<256x128xf32, #tpu.memory_space<vmem>>, vector<16xf32>,
        %get3A_1114 = arith.index_cast %add3A_1106 : i32 to index
        %get3A_1115 = arith.constant 16 : index
        %get3A_1116 = tpu.vector_load %arg6[%get3A_1114, %get3A_1115] {strides = array<i32>} : memref<256x128xf32, #tpu.memory_space<vmem>>, vector<16xf32>,
        %mul3A_1117 = arith.mulf %get3A_1116, %bitcast3A_1102 : vector<16xf32>
        %swap3A_1118 = arith.index_cast %add3A_1106 : i32 to index
        %swap3A_1119 = arith.constant 16 : index
        %swap3A_1120 = tpu.vector_load %arg6[%swap3A_1118, %swap3A_1119] {strides = array<i32>} : memref<256x128xf32, #tpu.memory_space<vmem>>, vector<16xf32>,
        tpu.vector_store %arg6[%swap3A_1118, %swap3A_1119], %mul3A_1117 {strides = array<i32>} : memref<256x128xf32, #tpu.memory_space<vmem>>, vector<16xf32>,
        %get3A_1121 = arith.index_cast %add3A_1106 : i32 to index
        %get3A_1122 = arith.constant 32 : index
        %get3A_1123 = tpu.vector_load %arg6[%get3A_1121, %get3A_1122] {strides = array<i32>} : memref<256x128xf32, #tpu.memory_space<vmem>>, vector<16xf32>,
        %mul3A_1124 = arith.mulf %get3A_1123, %bitcast3A_1102 : vector<16xf32>
        %swap3A_1125 = arith.index_cast %add3A_1106 : i32 to index
        %swap3A_1126 = arith.constant 32 : index
        %swap3A_1127 = tpu.vector_load %arg6[%swap3A_1125, %swap3A_1126] {strides = array<i32>} : memref<256x128xf32, #tpu.memory_space<vmem>>, vector<16xf32>,
        tpu.vector_store %arg6[%swap3A_1125, %swap3A_1126], %mul3A_1124 {strides = array<i32>} : memref<256x128xf32, #tpu.memory_space<vmem>>, vector<16xf32>,
        %get3A_1128 = arith.index_cast %add3A_1106 : i32 to index
        %get3A_1129 = arith.constant 48 : index
        %get3A_1130 = tpu.vector_load %arg6[%get3A_1128, %get3A_1129] {strides = array<i32>} : memref<256x128xf32, #tpu.memory_space<vmem>>, vector<16xf32>,
        %mul3A_1131 = arith.mulf %get3A_1130, %bitcast3A_1102 : vector<16xf32>
        %swap3A_1132 = arith.index_cast %add3A_1106 : i32 to index
        %swap3A_1133 = arith.constant 48 : index
        %swap3A_1134 = tpu.vector_load %arg6[%swap3A_1132, %swap3A_1133] {strides = array<i32>} : memref<256x128xf32, #tpu.memory_space<vmem>>, vector<16xf32>,
        tpu.vector_store %arg6[%swap3A_1132, %swap3A_1133], %mul3A_1131 {strides = array<i32>} : memref<256x128xf32, #tpu.memory_space<vmem>>, vector<16xf32>,
        %get3A_1135 = arith.index_cast %add3A_1106 : i32 to index
        %get3A_1136 = arith.constant 64 : index
        %get3A_1137 = tpu.vector_load %arg6[%get3A_1135, %get3A_1136] {strides = array<i32>} : memref<256x128xf32, #tpu.memory_space<vmem>>, vector<16xf32>,
        %mul3A_1138 = arith.mulf %get3A_1137, %bitcast3A_1102 : vector<16xf32>
        %swap3A_1139 = arith.index_cast %add3A_1106 : i32 to index
        %swap3A_1140 = arith.constant 64 : index
        %swap3A_1141 = tpu.vector_load %arg6[%swap3A_1139, %swap3A_1140] {strides = array<i32>} : memref<256x128xf32, #tpu.memory_space<vmem>>, vector<16xf32>,
        tpu.vector_store %arg6[%swap3A_1139, %swap3A_1140], %mul3A_1138 {strides = array<i32>} : memref<256x128xf32, #tpu.memory_space<vmem>>, vector<16xf32>,
        %get3A_1142 = arith.index_cast %add3A_1106 : i32 to index
        %get3A_1143 = arith.constant 80 : index
        %get3A_1144 = tpu.vector_load %arg6[%get3A_1142, %get3A_1143] {strides = array<i32>} : memref<256x128xf32, #tpu.memory_space<vmem>>, vector<16xf32>,
        %mul3A_1145 = arith.mulf %get3A_1144, %bitcast3A_1102 : vector<16xf32>
        %swap3A_1146 = arith.index_cast %add3A_1106 : i32 to index
        %swap3A_1147 = arith.constant 80 : index
        %swap3A_1148 = tpu.vector_load %arg6[%swap3A_1146, %swap3A_1147] {strides = array<i32>} : memref<256x128xf32, #tpu.memory_space<vmem>>, vector<16xf32>,
        tpu.vector_store %arg6[%swap3A_1146, %swap3A_1147], %mul3A_1145 {strides = array<i32>} : memref<256x128xf32, #tpu.memory_space<vmem>>, vector<16xf32>,
        %get3A_1149 = arith.index_cast %add3A_1106 : i32 to index
        %get3A_1150 = arith.constant 96 : index
        %get3A_1151 = tpu.vector_load %arg6[%get3A_1149, %get3A_1150] {strides = array<i32>} : memref<256x128xf32, #tpu.memory_space<vmem>>, vector<16xf32>,
        %mul3A_1152 = arith.mulf %get3A_1151, %bitcast3A_1102 : vector<16xf32>
        %swap3A_1153 = arith.index_cast %add3A_1106 : i32 to index
        %swap3A_1154 = arith.constant 96 : index
        %swap3A_1155 = tpu.vector_load %arg6[%swap3A_1153, %swap3A_1154] {strides = array<i32>} : memref<256x128xf32, #tpu.memory_space<vmem>>, vector<16xf32>,
        tpu.vector_store %arg6[%swap3A_1153, %swap3A_1154], %mul3A_1152 {strides = array<i32>} : memref<256x128xf32, #tpu.memory_space<vmem>>, vector<16xf32>,
        %get3A_1156 = arith.index_cast %add3A_1106 : i32 to index
        %get3A_1157 = arith.constant 112 : index
        %get3A_1158 = tpu.vector_load %arg6[%get3A_1156, %get3A_1157] {strides = array<i32>} : memref<256x128xf32, #tpu.memory_space<vmem>>, vector<16xf32>,
        %mul3A_1159 = arith.mulf %get3A_1158, %bitcast3A_1102 : vector<16xf32>
        %swap3A_1160 = arith.index_cast %add3A_1106 : i32 to index
        %swap3A_1161 = arith.constant 112 : index
        %swap3A_1162 = tpu.vector_load %arg6[%swap3A_1160, %swap3A_1161] {strides = array<i32>} : memref<256x128xf32, #tpu.memory_space<vmem>>, vector<16xf32>,
        tpu.vector_store %arg6[%swap3A_1160, %swap3A_1161], %mul3A_1159 {strides = array<i32>} : memref<256x128xf32, #tpu.memory_space<vmem>>, vector<16xf32>,
      }
      %scan3A_71 = arith.constant 16 : i32
      %run_scoped3A = arith.constant 2 : i32
      "tpu.region"() ({
        %run_scoped3A_73 = tpu.sem_alloc : memref<!tpu.dma_semaphore, #tpu.memory_space<semaphore_mem>>
        %dma_start3A_74 = arith.constant 0 : i32
        %dma_start3A_75 = arith.constant 0 : i32
        %dma_start3A_76 = tpu.memref_slice %arg6[%dma_start3A_74, %dma_start3A_75] : memref<256x128xf32, #tpu.memory_space<vmem>> -> memref<128x128xf32, #tpu.memory_space<vmem>>
        %dma_start3A_77 = arith.constant 0 : i32
        %dma_start3A_78 = tpu.memref_slice %arg5[%run_scoped3A, %dma_start3A_77] : memref<8x128xi32, #tpu.memory_space<vmem>> -> memref<1x128xi32, #tpu.memory_space<vmem>>
        %dma_start3A_79 = tpu.memref_squeeze %dma_start3A_78 : memref<1x128xi32, #tpu.memory_space<vmem>> -> memref<128xi32, #tpu.memory_space<vmem>>
        %dma_start3A_80 = arith.constant 0 : i32
        %dma_start3A_81 = arith.constant 0 : i32
        %dma_start3A_82 = tpu.memref_slice %arg7[%dma_start3A_80, %dma_start3A_81] : memref<10000x128xf32, #tpu.memory_space<vmem_shared>> -> memref<10000x128xf32, #tpu.memory_space<vmem_shared>>
        tpu.enqueue_indirect_dma source(%dma_start3A_76 : memref<128x128xf32, #tpu.memory_space<vmem>>) target(%dma_start3A_82 : memref<10000x128xf32, #tpu.memory_space<vmem_shared>>) offsets(%dma_start3A_79 : memref<128xi32, #tpu.memory_space<vmem>>) semaphore(%run_scoped3A_73 : memref<!tpu.dma_semaphore, #tpu.memory_space<semaphore_mem>>) {add = true}
        %dma_wait3A_83 = arith.constant 0 : i32
        %dma_wait3A_84 = arith.constant 0 : i32
        %dma_wait3A_85 = tpu.memref_slice %arg6[%dma_wait3A_83, %dma_wait3A_84] : memref<256x128xf32, #tpu.memory_space<vmem>> -> memref<128x128xf32, #tpu.memory_space<vmem>>
        %dma_wait3A_86 = arith.constant 0 : i32
        %dma_wait3A_87 = tpu.memref_slice %arg5[%run_scoped3A, %dma_wait3A_86] : memref<8x128xi32, #tpu.memory_space<vmem>> -> memref<1x128xi32, #tpu.memory_space<vmem>>
        %dma_wait3A_88 = tpu.memref_squeeze %dma_wait3A_87 : memref<1x128xi32, #tpu.memory_space<vmem>> -> memref<128xi32, #tpu.memory_space<vmem>>
        %dma_wait3A_89 = arith.constant 0 : i32
        %dma_wait3A_90 = arith.constant 0 : i32
        %dma_wait3A_91 = tpu.memref_slice %arg7[%dma_wait3A_89, %dma_wait3A_90] : memref<10000x128xf32, #tpu.memory_space<vmem_shared>> -> memref<10000x128xf32, #tpu.memory_space<vmem_shared>>
        tpu.wait_indirect_dma semaphore(%run_scoped3A_73 : memref<!tpu.dma_semaphore, #tpu.memory_space<semaphore_mem>>) src(%dma_wait3A_85 : memref<128x128xf32, #tpu.memory_space<vmem>>) dst(%dma_wait3A_91 : memref<10000x128xf32, #tpu.memory_space<vmem_shared>>)
        tpu.yield
      }) : () -> ()
      %run_scoped3A_72 = arith.constant 3 : i32
      "tpu.region"() ({
        %run_scoped3A_73 = tpu.sem_alloc : memref<!tpu.dma_semaphore, #tpu.memory_space<semaphore_mem>>
        %dma_start3A_74 = arith.constant 128 : i32
        %dma_start3A_75 = arith.constant 0 : i32
        %dma_start3A_76 = tpu.memref_slice %arg6[%dma_start3A_74, %dma_start3A_75] : memref<256x128xf32, #tpu.memory_space<vmem>> -> memref<128x128xf32, #tpu.memory_space<vmem>>
        %dma_start3A_77 = arith.constant 0 : i32
        %dma_start3A_78 = tpu.memref_slice %arg5[%run_scoped3A_72, %dma_start3A_77] : memref<8x128xi32, #tpu.memory_space<vmem>> -> memref<1x128xi32, #tpu.memory_space<vmem>>
        %dma_start3A_79 = tpu.memref_squeeze %dma_start3A_78 : memref<1x128xi32, #tpu.memory_space<vmem>> -> memref<128xi32, #tpu.memory_space<vmem>>
        %dma_start3A_80 = arith.constant 0 : i32
        %dma_start3A_81 = arith.constant 0 : i32
        %dma_start3A_82 = tpu.memref_slice %arg7[%dma_start3A_80, %dma_start3A_81] : memref<10000x128xf32, #tpu.memory_space<vmem_shared>> -> memref<10000x128xf32, #tpu.memory_space<vmem_shared>>
        tpu.enqueue_indirect_dma source(%dma_start3A_76 : memref<128x128xf32, #tpu.memory_space<vmem>>) target(%dma_start3A_82 : memref<10000x128xf32, #tpu.memory_space<vmem_shared>>) offsets(%dma_start3A_79 : memref<128xi32, #tpu.memory_space<vmem>>) semaphore(%run_scoped3A_73 : memref<!tpu.dma_semaphore, #tpu.memory_space<semaphore_mem>>) {add = true}
        %dma_wait3A_83 = arith.constant 128 : i32
        %dma_wait3A_84 = arith.constant 0 : i32
        %dma_wait3A_85 = tpu.memref_slice %arg6[%dma_wait3A_83, %dma_wait3A_84] : memref<256x128xf32, #tpu.memory_space<vmem>> -> memref<128x128xf32, #tpu.memory_space<vmem>>
        %dma_wait3A_86 = arith.constant 0 : i32
        %dma_wait3A_87 = tpu.memref_slice %arg5[%run_scoped3A_72, %dma_wait3A_86] : memref<8x128xi32, #tpu.memory_space<vmem>> -> memref<1x128xi32, #tpu.memory_space<vmem>>
        %dma_wait3A_88 = tpu.memref_squeeze %dma_wait3A_87 : memref<1x128xi32, #tpu.memory_space<vmem>> -> memref<128xi32, #tpu.memory_space<vmem>>
        %dma_wait3A_89 = arith.constant 0 : i32
        %dma_wait3A_90 = arith.constant 0 : i32
        %dma_wait3A_91 = tpu.memref_slice %arg7[%dma_wait3A_89, %dma_wait3A_90] : memref<10000x128xf32, #tpu.memory_space<vmem_shared>> -> memref<10000x128xf32, #tpu.memory_space<vmem_shared>>
        tpu.wait_indirect_dma semaphore(%run_scoped3A_73 : memref<!tpu.dma_semaphore, #tpu.memory_space<semaphore_mem>>) src(%dma_wait3A_85 : memref<128x128xf32, #tpu.memory_space<vmem>>) dst(%dma_wait3A_91 : memref<10000x128xf32, #tpu.memory_space<vmem_shared>>)
        tpu.yield
      }) : () -> ()
    }
    %scan3A_14 = arith.constant 40 : i32
    %barrier3A_15 = arith.constant 0 : index
    tpu.barrier barrier_id(%barrier3A_15)
    %scan3A_16 = arith.constant 0 : i32
    %scan3A_17 = arith.constant 8 : i32
    %scan3A_18 = arith.addi %scan3A_16, %scan3A_17 : i32
    %scan3A_19 = arith.constant 1 : i32
    scf.for %scan3A_21 = %scan3A_16 to %scan3A_18 step %scan3A_19  : i32 {
      %mul3A_22 = arith.constant 1 : i32
      %mul3A_23 = arith.muli %scan3A_21, %mul3A_22 : i32
      %add3A_24 = arith.constant 0 : i32
      %add3A_25 = arith.addi %add3A_24, %mul3A_23 : i32
      %mul3A_26 = arith.constant 16 : i32
      %mul3A_27 = arith.muli %add3A_25, %mul3A_26 : i32
      %add3A_28 = arith.addi %arg1, %mul3A_27 : i32
      %lt3A = arith.constant 125 : i32
      %lt3A_29 = arith.cmpi slt, %add3A_28, %lt3A : i32
      %convert_element_type3A = arith.extui %lt3A_29 : i1 to i32
      %cond3A = arith.constant 0 : i32
      %cond3A_30 = arith.cmpi ne, %convert_element_type3A, %cond3A : i32
      scf.if %cond3A_30 {
        %mul3A_31 = arith.constant 80 : i32
        %mul3A_32 = arith.muli %add3A_28, %mul3A_31 : i32
        %mul3A_33 = arith.constant 80 : i32
        %mul3A_34 = arith.muli %add3A_28, %mul3A_33 : i32
        "tpu.region"() ({
          %run_scoped3A = tpu.sem_alloc : memref<!tpu.dma_semaphore, #tpu.memory_space<semaphore_mem>>
          %dma_start3A = arith.constant 0 : i32
          %dma_start3A_35 = tpu.memref_slice %arg4[%arg0, %mul3A_34, %dma_start3A] : memref<2x10000x128xf32, #tpu.memory_space<hbm>> -> memref<1x80x128xf32, #tpu.memory_space<hbm>>
          %dma_start3A_36 = tpu.memref_squeeze %dma_start3A_35 : memref<1x80x128xf32, #tpu.memory_space<hbm>> -> memref<80x128xf32, #tpu.memory_space<hbm>>
          %dma_start3A_37 = arith.constant 0 : i32
          %dma_start3A_38 = tpu.memref_slice %arg7[%mul3A_32, %dma_start3A_37] : memref<10000x128xf32, #tpu.memory_space<vmem_shared>> -> memref<80x128xf32, #tpu.memory_space<vmem_shared>>
          tpu.enqueue_dma source(%dma_start3A_38 : memref<80x128xf32, #tpu.memory_space<vmem_shared>>) target(%dma_start3A_36 : memref<80x128xf32, #tpu.memory_space<hbm>>) target_semaphore(%run_scoped3A : memref<!tpu.dma_semaphore, #tpu.memory_space<semaphore_mem>>)
          %dma_wait3A = arith.constant 0 : i32
          %dma_wait3A_39 = tpu.memref_slice %arg4[%arg0, %mul3A_34, %dma_wait3A] : memref<2x10000x128xf32, #tpu.memory_space<hbm>> -> memref<1x80x128xf32, #tpu.memory_space<hbm>>
          %dma_wait3A_40 = tpu.memref_squeeze %dma_wait3A_39 : memref<1x80x128xf32, #tpu.memory_space<hbm>> -> memref<80x128xf32, #tpu.memory_space<hbm>>
          %dma_wait3A_41 = arith.constant 0 : i32
          %dma_wait3A_42 = tpu.memref_slice %arg7[%mul3A_32, %dma_wait3A_41] : memref<10000x128xf32, #tpu.memory_space<vmem_shared>> -> memref<80x128xf32, #tpu.memory_space<vmem_shared>>
          tpu.wait_dma2 semaphore(%run_scoped3A : memref<!tpu.dma_semaphore, #tpu.memory_space<semaphore_mem>>) src(%dma_wait3A_42 : memref<80x128xf32, #tpu.memory_space<vmem_shared>>) dst(%dma_wait3A_40 : memref<80x128xf32, #tpu.memory_space<hbm>>)
          tpu.yield
        }) : () -> ()
      } else {
      }
    }
    %scan3A_20 = arith.constant 8 : i32
    return
  }
}

module attributes {stable_mosaic.version = 14 : i64} {
  func.func @_matmul_body(%arg0: i32, %arg1: memref<1000x128xf32, #tpu.memory_space<vmem>>, %arg2: memref<128x128xf32, #tpu.memory_space<vmem>>, %arg3: memref<1000x128xf32, #tpu.memory_space<vmem>>) attributes {dimension_semantics = [#tpu.dimension_semantics<arbitrary>], iteration_bounds = array<i64: 10>, scalar_prefetch = 0 : i64, scratch_operands = 0 : i64, tpu.core_type = #tpu.core_type<tc>, window_params = [{transform_indices = @transform_0, window_bounds = array<i64: 1000, 128>}, {pipeline_mode = #tpu.pipeline_mode<synchronous>, transform_indices = @transform_1, window_bounds = array<i64: 128, 128>}, {transform_indices = @transform_2, window_bounds = array<i64: 1000, 128>}]} {
    %get3A = arith.constant 0 : index
    %get3A_0 = arith.constant 0 : index
    %get3A_1 = vector.load %arg1[%get3A, %get3A_0] : memref<1000x128xf32, #tpu.memory_space<vmem>>, vector<1000x128xf32>
    %get3A_2 = arith.constant 0 : index
    %get3A_3 = arith.constant 0 : index
    %get3A_4 = vector.load %arg2[%get3A_2, %get3A_3] : memref<128x128xf32, #tpu.memory_space<vmem>>, vector<128x128xf32>
    %dot_general3A = arith.constant dense<0.000000e+00> : vector<1000x128xf32>
    %dot_general3A_5 = tpu.matmul %get3A_1, %get3A_4, %dot_general3A {dimension_numbers = #tpu.dot_dimension_numbers<[1], [0], [0], [1], [0, 0, 1, 1], [], []>, transpose_lhs_hint = false} : vector<1000x128xf32>, vector<128x128xf32>, vector<1000x128xf32> -> vector<1000x128xf32>
    %swap3A = arith.constant 0 : index
    %swap3A_6 = arith.constant 0 : index
    %swap3A_7 = vector.load %arg3[%swap3A, %swap3A_6] : memref<1000x128xf32, #tpu.memory_space<vmem>>, vector<1000x128xf32>
    tpu.vector_store %arg3[%swap3A, %swap3A_6], %dot_general3A_5 {strides = array<i32>} : memref<1000x128xf32, #tpu.memory_space<vmem>>, vector<1000x128xf32>,
    return
  }
  func.func @transform_0(%arg0: i32) -> (i32, i32) {
    %c0_i32 = arith.constant 0 : i32
    %c0_i32_0 = arith.constant 0 : i32
    return %arg0, %c0_i32 : i32, i32
  }
  func.func @transform_1(%arg0: i32) -> (i32, i32) {
    %c0_i32 = arith.constant 0 : i32
    %c0_i32_0 = arith.constant 0 : i32
    %c0_i32_1 = arith.constant 0 : i32
    return %c0_i32, %c0_i32_0 : i32, i32
  }
  func.func @transform_2(%arg0: i32) -> (i32, i32) {
    %c0_i32 = arith.constant 0 : i32
    %c0_i32_0 = arith.constant 0 : i32
    return %arg0, %c0_i32 : i32, i32
  }
}

module attributes {stable_mosaic.version = 14 : i64} {
  func.func @_combine_body(%arg0: i32, %arg1: memref<2x1000x128xf32, #tpu.memory_space<vmem>>, %arg2: memref<1x128xf32, #tpu.memory_space<vmem>>, %arg3: memref<1000x128xf32, #tpu.memory_space<vmem>>) attributes {dimension_semantics = [#tpu.dimension_semantics<arbitrary>], iteration_bounds = array<i64: 10>, scalar_prefetch = 0 : i64, scratch_operands = 0 : i64, tpu.core_type = #tpu.core_type<tc>, window_params = [{transform_indices = @transform_0, window_bounds = array<i64: 2, 1000, 128>}, {pipeline_mode = #tpu.pipeline_mode<synchronous>, transform_indices = @transform_1, window_bounds = array<i64: 1, 128>}, {transform_indices = @transform_2, window_bounds = array<i64: 1000, 128>}]} {
    %get3A = arith.constant 0 : index
    %get3A_0 = arith.constant 0 : index
    %get3A_1 = arith.constant 0 : index
    %get3A_2 = vector.load %arg1[%get3A, %get3A_0, %get3A_1] : memref<2x1000x128xf32, #tpu.memory_space<vmem>>, vector<1x1000x128xf32>
    %get3A_3 = vector.shape_cast %get3A_2 : vector<1x1000x128xf32> to vector<1000x128xf32>
    %get3A_4 = arith.constant 1 : index
    %get3A_5 = arith.constant 0 : index
    %get3A_6 = arith.constant 0 : index
    %get3A_7 = vector.load %arg1[%get3A_4, %get3A_5, %get3A_6] : memref<2x1000x128xf32, #tpu.memory_space<vmem>>, vector<1x1000x128xf32>
    %get3A_8 = vector.shape_cast %get3A_7 : vector<1x1000x128xf32> to vector<1000x128xf32>
    %add3A = arith.addf %get3A_3, %get3A_8 : vector<1000x128xf32>
    %get3A_9 = arith.constant 0 : index
    %get3A_10 = arith.constant 0 : index
    %get3A_11 = vector.load %arg2[%get3A_9, %get3A_10] : memref<1x128xf32, #tpu.memory_space<vmem>>, vector<1x128xf32>
    %add3A_12 = vector.broadcast %get3A_11 : vector<1x128xf32> to vector<1000x128xf32>
    %add3A_13 = arith.addf %add3A, %add3A_12 : vector<1000x128xf32>
    %swap3A = arith.constant 0 : index
    %swap3A_14 = arith.constant 0 : index
    %swap3A_15 = vector.load %arg3[%swap3A, %swap3A_14] : memref<1000x128xf32, #tpu.memory_space<vmem>>, vector<1000x128xf32>
    tpu.vector_store %arg3[%swap3A, %swap3A_14], %add3A_13 {strides = array<i32>} : memref<1000x128xf32, #tpu.memory_space<vmem>>, vector<1000x128xf32>,
    return
  }
  func.func @transform_0(%arg0: i32) -> (i32, i32, i32) {
    %c0_i32 = arith.constant 0 : i32
    %c0_i32_0 = arith.constant 0 : i32
    %c0_i32_1 = arith.constant 0 : i32
    return %c0_i32, %arg0, %c0_i32_0 : i32, i32, i32
  }
  func.func @transform_1(%arg0: i32) -> (i32, i32) {
    %c0_i32 = arith.constant 0 : i32
    %c0_i32_0 = arith.constant 0 : i32
    %c0_i32_1 = arith.constant 0 : i32
    return %c0_i32, %c0_i32_0 : i32, i32
  }
  func.func @transform_2(%arg0: i32) -> (i32, i32) {
    %c0_i32 = arith.constant 0 : i32
    %c0_i32_0 = arith.constant 0 : i32
    return %arg0, %c0_i32 : i32, i32
  }
}

</mosaic_0001>

<sc_bundles>
// kernel: kernel.5.cloned.1.call-start
scs
__scs_entry_jumppad:
0x0: {  	(pc) =	sbr.rel $0x88, $3  }
0x1: {  	(tag) =	ssettag $0x0;
	lr =	simm.s32 $0x1  }
0x2: {  	[smem:$0x3F9C] =	sst lr;
	_ =	strace $0xD0000000  }
0x3: {  	_ = 	snop  }
0x4: {  	_ = 	snop  }
0x5: {  	_ = 	snop  }
0x6: {  	_ = 	snop  }
0x7: {  	_ = 	snop  }
__scs_overlays_trampoline_lowered:
0x8: {  	[smem:$0x3FAB] =	sst s0  }
0x9: {  	[smem:$0x3FAC] =	sst s1  }
0xa: {  	[smem:$0x3FAD] =	sst s2  }
0xb: {  	[smem:$0x3FAE] =	sst s3  }
0xc: {  	[smem:$0x3FAF] =	sst s4  }
0xd: {  	[smem:$0x3FB0] =	sst s5  }
0xe: {  	[smem:$0x3FB1] =	sst s6  }
0xf: {  	[smem:$0x3FB2] =	sst s7  }
0x10: {  	[smem:$0x3FB3] =	sst s8  }
0x11: {  	[smem:$0x3FB4] =	sst s9;
	s0 =	simm.s32 @!p0 $0x0  }
0x12: {  	s1 =	sld [smem:$0x3F9A];
	s0 =	simm.s32 @p0 $0x1  }
0x13: {  	[smem:$0x3FB5] =	sst s0;
	s0 =	simm.s32 @!p1 $0x0  }
0x14: {  	s2 =	sld [smem:$0x3F99];
	s0 =	simm.s32 @p1 $0x1  }
0x15: {  	[smem:$0x3FB6] =	sst s0;
	s0 =	simm.s32 @!p2 $0x0  }
0x16: {  	s3 =	sld [smem:$0x3FDB];
	s0 =	simm.s32 @p2 $0x1  }
0x17: {  	s4 =	simm.s32 $0x1BF5;
	[smem:$0x3FB8] =	sst s0  }
0x18: {  	s0 =	sld [smem:$0x3F9B];
	_ =	swait.ge [sflag:s4], $0x0  }
0x19: {  	s7 =	sld [smem:$0x3F9C]  }
0x1a: {  	s8 =	sadd.s32 $0xFFFFE003, lr  }
0x1b: {  	s9 =	sadd.s32 $0xFFFFFEF7, lr;
	s5 =	simm.s32 $0xFFFFFFFF;
	p2 =	slt.u32 s8, $0xFFFFF086  }
0x1c: {  	p1 =	slt.u32 s9, $0xF7A;
	s5 =	simm.s32 @!p2 $0x0  }
0x1d: {  	s5 =	simm.s32 @p1 $0x1;
	p0 =	seq.s32 s7, s2  }
0x1e: {  	s7 =	smul.u32 @!p0 $0xF7A, s2;
	p2 =	seq.s32 @!p0 s5, $0x0  }
0x1f: {  	s9 =	smul.u32 $0xF7A, s1;
	s8 =	simm.s32 @!p0 $0x1BF5;
	p2 =	por !p2, p0  }
0x20: {  	[sflag:s8] =	ssyncset.s32 @!p0 $0xFFFFF086;
	s6 =	sadd.s32 @!p0 s3, s7;
	s7 =	simm.s32 @!p0 $0x108  }
0x21: {  	s3 =	sadd.s32 s3, s9;
	s6 =	sadd.s32 @!p0 $0x88, s6;
	s7 =	simm.s32 @p2 $0x1082  }
0x22: {  	[simem:s7], [sflag:s8] =	dma.local @!p0 [hbm:s6], $0xF7A  }
0x23: {  	s9 =	sor.u32 $0xD0000000, s2;
	s6 =	simm.s32 $0x108;
	_ =	swait.ge @!p0 [sflag:s8], $0x0  }
0x24: {  	s3 =	sadd.s32 $0x88, s3;
	s6 =	simm.s32 @!p1 $0x1082;
	[sflag:s4] =	ssyncset.s32 $0xFFFFF086  }
0x25: {  	[simem:s6], [sflag:s4] =	dma.local [hbm:s3], $0xF7A  }
0x26: {  	[smem:$0x3F9C] =	sst s1;
	(tag) =	ssettag s2;
	_ =	strace s9  }
0x27: {  	s1 =	sld [smem:$0x3FAC]  }
0x28: {  	s2 =	sld [smem:$0x3FAD]  }
0x29: {  	s4 =	sld [smem:$0x3FAF]  }
0x2a: {  	p0 =	seq.s32 s5, $0x0;
	s5 =	sld [smem:$0x3FB0]  }
0x2b: {  	s6 =	sld [smem:$0x3FB1]  }
0x2c: {  	s7 =	sld [smem:$0x3FB2]  }
0x2d: {  	s3 =	simm.s32 $0x108;
	s8 =	sld [smem:$0x3FB3]  }
0x2e: {  	s3 =	simm.s32 @!p0 $0x1082;
	s9 =	sld [smem:$0x3FB4]  }
0x2f: {  	lr =	sadd.s32 s0, s3;
	s0 =	sld [smem:$0x3FAB]  }
0x30: {  	s3 =	sld [smem:$0x3FAE]  }
0x31: {  	[smem:$0x3FB7] =	sst s10  }
0x32: {  	s10 =	sld [smem:$0x3FB5];
	_ =	sdelay $0x3  }
0x33: {  	p0 =	seq.s32 s10, $0x1;
	s10 =	sld [smem:$0x3FB7];
	_ =	sdelay $0x3  }
0x34: {  	[smem:$0x3FB7] =	sst s10  }
0x35: {  	s10 =	sld [smem:$0x3FB6];
	_ =	sdelay $0x3  }
0x36: {  	p1 =	seq.s32 s10, $0x1;
	s10 =	sld [smem:$0x3FB7];
	_ =	sdelay $0x3  }
0x37: {  	[smem:$0x3FB7] =	sst s10  }
0x38: {  	s10 =	sld [smem:$0x3FB8]  }
0x39: {  	_ = 	snop;
	(pc) =	sbr.ind lr, $3  }
0x3a: {  	_ = 	snop  }
0x3b: {  	_ = 	snop  }
0x3c: {  	p2 =	seq.s32 s10, $0x1;
	s10 =	sld [smem:$0x3FB7]  }
0x3d: {  	_ =	shalt  }
0x3e: {  	_ =	shalt  }
0x3f: {  	_ =	shalt  }
0x40: {  	_ =	shalt  }
0x41: {  	_ =	shalt  }
0x42: {  	_ =	shalt  }
0x43: {  	_ =	shalt  }
0x44: {  	_ =	shalt  }
0x45: {  	_ =	shalt  }
0x46: {  	_ =	shalt  }
0x47: {  	_ =	shalt  }
0x48: {  	_ =	shalt  }
0x49: {  	_ =	shalt  }
0x4a: {  	_ =	shalt  }
0x4b: {  	_ =	shalt  }
0x4c: {  	_ =	shalt  }
0x4d: {  	_ =	shalt  }
0x4e: {  	_ =	shalt  }
0x4f: {  	_ =	shalt  }
0x50: {  	_ =	shalt  }
0x51: {  	_ =	shalt  }
0x52: {  	_ =	shalt  }
0x53: {  	_ =	shalt  }
0x54: {  	_ =	shalt  }
0x55: {  	_ =	shalt  }
0x56: {  	_ =	shalt  }
0x57: {  	_ =	shalt  }
0x58: {  	_ =	shalt  }
0x59: {  	_ =	shalt  }
0x5a: {  	_ =	shalt  }
0x5b: {  	_ =	shalt  }
0x5c: {  	_ =	shalt  }
0x5d: {  	_ =	shalt  }
0x5e: {  	_ =	shalt  }
0x5f: {  	_ =	shalt  }
0x60: {  	_ =	shalt  }
0x61: {  	_ =	shalt  }
0x62: {  	_ =	shalt  }
0x63: {  	_ =	shalt  }
0x64: {  	_ =	shalt  }
0x65: {  	_ =	shalt  }
0x66: {  	_ =	shalt  }
0x67: {  	_ =	shalt  }
0x68: {  	_ =	shalt  }
0x69: {  	_ =	shalt  }
0x6a: {  	_ =	shalt  }
0x6b: {  	_ =	shalt  }
0x6c: {  	_ =	shalt  }
0x6d: {  	_ =	shalt  }
0x6e: {  	_ =	shalt  }
0x6f: {  	_ =	shalt  }
0x70: {  	_ =	shalt  }
0x71: {  	_ =	shalt  }
0x72: {  	_ =	shalt  }
0x73: {  	_ =	shalt  }
0x74: {  	_ =	shalt  }
0x75: {  	_ =	shalt  }
0x76: {  	_ =	shalt  }
0x77: {  	_ =	shalt  }
0x78: {  	_ =	shalt  }
0x79: {  	_ =	shalt  }
0x7a: {  	_ =	shalt  }
0x7b: {  	_ =	shalt  }
0x7c: {  	_ =	shalt  }
0x7d: {  	_ =	shalt  }
0x7e: {  	_ =	shalt  }
0x7f: {  	_ =	shalt  }
0x80: {  	_ =	shalt  }
0x81: {  	_ =	shalt  }
0x82: {  	_ =	shalt  }
0x83: {  	_ =	shalt  }
0x84: {  	_ =	shalt  }
0x85: {  	_ =	shalt  }
0x86: {  	_ =	shalt  }
0x87: {  	_ =	shalt  }
.Lfunc_end0:
.L_simem_size_0:
called_computation_lowered:
.L_overlay_start_0:
0x88: {  	s2 =	sld [smem:$0x3FD9]  }
0x89: {  	s3 =	sld [smem:$0x3FFE];
	_ =	sdelay $0x1  }
0x8a: {  	s1 =	srdreg.scid  }
0x8b: {  	s0 =	sand.u32 $0x1, s1  }
0x8c: {  	s17 =	sshll.u32 s0, $0xA;
	s2 =	sadd.s32 s3, s2  }
0x8d: {  	s2 =	sadd.s32 s2, s17  }
0x8e: {  	[smem:$0x3FC3] =	sst s2  }
0x8f: {  	_ = 	snop  }
0x90: {  	s2 =	sld [smem:$0x3FD0];
	(tm) =	ssettm $0x1  }
0x91: {  	s18 =	sld [smem:$0x3FFB];
	_ =	sdelay $0x3  }
0x92: {  	_ =	strace s18  }
0x93: {  	s3 =	sld [smem:$0x3FFC];
	_ =	sdelay $0x3  }
0x94: {  	_ =	strace s3  }
0x95: {  	s3 =	sld [smem:$0x3FFD];
	_ =	sdelay $0x3  }
0x96: {  	_ =	strace s3  }
0x97: {  	_ =	strace $0x8FFFFFFF  }
0x98: {  	s19 =	sld [smem:$0x3FDB];
	_ =	sdelay $0x1  }
0x99: {  	s4 =	simm.s32 $_scs_section_size  }
0x9a: {  	s5 =	simm.s32 $_size__tile_overlayer_lowered;
	s6 =	simm.s32 $_tile_overlayer_lowered  }
0x9b: {  	s22 =	simm.s32 $0x1BFF;
	s21 =	sshll.u32 s6, $0x1;
	s3 =	sadd.s32 s4, s19  }
0x9c: {  	s7 =	simm.s32 $0x0;
	s20 =	sshll.u32 s5, $0x1;
	s5 =	sadd.s32 s21, s3  }
0x9d: {  	[timem:s7], [sflag:s22] =	dma.local [hbm:s5], s20  }
0x9e: {  	_ =	swait.ge [sflag:s22], s20  }
0x9f: {  	s4 =	ssub.s32 $0x0, s20;
	[sflag:s22] =	ssyncset.done $0x0  }
0xa0: {  	[sflag:s22] =	ssyncadd.s32 s4;
	_ =	sdelay $0x1  }
0xa1: {  	s23 =	simm.s32 $0x1B8B  }
0xa2: {  	_ =	swait.ge [sflag:s23], $0x1  }
0xa3: {  	[sflag:s23] =	ssyncset.done $0x0  }
0xa4: {  	s25 =	simm.s32 $0x1B8E;
	s24 =	sld [smem:$0x3FFE];
	[sflag:s23] =	ssyncadd.s32 $0xFFFFFFFF  }
0xa5: {  	s26 =	simm.s32 $execute0_lowered;
	[smem:$0x3FD2] =	sst s25  }
0xa6: {  	s5 =	sshll.u32 s26, $0x1;
	_ =	strace $0x80000046;
	[dreg:$0x1] =	wrdreg $0xFFFFFFFF  }
0xa7: {  	s28 =	simm.s32 $_size_execute0_lowered;
	s3 =	sadd.s32 s3, s5;
	[dreg:$0x0] =	wrdreg $0x0  }
0xa8: {  	s5 =	sshll.u32 s28, $0x1;
	[dreg:$0x2] =	wrdreg s3  }
0xa9: {  	[dreg:$0x3] =	wrdreg s5  }
0xaa: {  	[dreg:$0x4] =	wrdreg $0xC0  }
0xab: {  	_ =	task [dreg:s7], $0x5FFFF  }
0xac: {  	[dreg:$0x1] =	wrdreg $0xFFFFFFFF  }
0xad: {  	[dreg:$0x0] =	wrdreg $0x60  }
0xae: {  	[dreg:$0x2] =	wrdreg s2  }
0xaf: {  	[dreg:$0x3] =	wrdreg s24  }
0xb0: {  	[dreg:$0x4] =	wrdreg $0x84000  }
0xb1: {  	[dreg:$0x5] =	wrdreg $0x9  }
0xb2: {  	_ =	task.clear_ibuf [dreg:s7], $0x6FFFF;
	_ =	strace $0x90000046  }
0xb3: {  	s29 =	simm.s32 $0x9;
	_ =	strace $0x80000048  }
0xb4: {  	_ =	swait.ge [sflag:s29], $0x1  }
0xb5: {  	[sflag:s29] =	ssyncadd.s32 $0xFFFFFFFF  }
0xb6: {  	_ =	strace $0x90000048  }
0xb7: {  	_ =	sfence  }
0xb8: {  	s30 =	sld [smem:$0x0];
	_ =	sdelay $0x2  }
0xb9: {  	s31 =	sshll.u32 s1, $0xD;
	s1 =	sshrl.u32 s1, $0x2  }
0xba: {  	s3 =	sand.u32 $0x4000, s31;
	s1 =	sadd.s32 s1, s30  }
0xbb: {  	s0 =	sor.u32 s3, s0;
	s1 =	sshll.u32 s1, $0x11  }
0xbc: {  	s0 =	sor.u32 s1, s0  }
0xbd: {  	s0 =	sadd.s32 $0x8F2B, s0  }
0xbe: {  	[sflag:s0] =	ssyncadd.remote.s32 $0x1  }
0xbf: {  	_ =	sfence.sel $0xFFFF  }
0xc0: {  	[dreg:$0x0] =	wrdreg $0xFFFFFFFF;
	(pc) =	sbr.abs _section_cstart, $3  }
0xc1: {  	[dreg:$0x1] =	wrdreg $0xFFFFFFFF  }
0xc2: {  	_ =	task.clear_ibuf [dreg:s7], $0x2FFFF;
	_ =	strace $0x9FFFFFFF  }
0xc3: {  	(tm) =	ssettm $0x7FFFFFFF  }
tec
execute0_lowered:
.L_overlay_start_1:
0x0: {  	(tag) =	ssettag $0x1  }
0x1: {  	s4 =	srdreg.scid;
	s20 =	stileid.u32  }
0x2: {  	s4 =	sand.u32 $0x1, s4;
	s8 =	smul.u32 $0xA000, s20;
	s14 =	sor.u32 $0x10, s20  }
0x3: {  	s5 =	sshll.u32 s4, $0x7;
	s6 =	ssub.s32 $0x2, s4;
	s4 =	smul.u32 $0x138800, s4  }
0x4: {  	s25 =	sor.u32 $0x20, s20;
	s24 =	smul.u32 $0xA000, s14  }
0x5: {  	s15 =	sor.u32 $0x30, s20;
	s9 =	smul.u32 $0xA000, s25  }
0x6: {  	s1 =	rddreg [dreg:$0x0];
	s16 =	sor.u32 $0x40, s20;
	s10 =	smul.u32 $0xA000, s15  }
0x7: {  	s0 =	rddreg [dreg:$0x1];
	s17 =	sor.u32 $0x50, s20;
	s11 =	smul.u32 $0xA000, s16  }
0x8: {  	s2 =	rddreg [dreg:$0x2];
	s18 =	sor.u32 $0x60, s20;
	s12 =	smul.u32 $0xA000, s17  }
0x9: {  	s3 =	simm.s32 $0x0;
	s28 =	simm.s32 $0x1;
	s13 =	smul.u32 $0xA000, s18  }
0xa: {  	s29 =	simm.s32 $0x100;
	s30 =	simm.s32 $0x180;
	s21 =	smul.u32 $0x2800, s14  }
0xb: {  	s31 =	simm.s32 $0x0;
	[smem:$0x7FF] =	sst s3;
	s15 =	smul.u32 $0x2800, s15  }
0xc: {  	s22 =	sshll.u32 s20, $0x8;
	_ =	strace $0x80000047;
	s16 =	smul.u32 $0x2800, s16  }
0xd: {  	s5 =	sadd.s32 s5, s0;
	s0 =	sadd.s32 $0x28E00, s0;
	s7 =	sshrl.u32 s6, $0x1  }
0xe: {  	s23 =	sshrl.u32 s8, $0x2;
	s6 =	ssub.s32 s6, s7;
	s5 =	sadd.s32 s22, s5  }
0xf: {  	s7 =	sadd.s32 s23, s2;
	s8 =	sshrl.u32 s24, $0x2;
	s9 =	sshrl.u32 s9, $0x2  }
0x10: {  	s10 =	sshrl.u32 s10, $0x2;
	s23 =	sor.u32 $0x70, s20;
	s11 =	sshrl.u32 s11, $0x2  }
0x11: {  	s12 =	sshrl.u32 s12, $0x2;
	s13 =	sshrl.u32 s13, $0x2;
	s20 =	smul.u32 $0x2800, s20  }
0x12: {  	s15 =	sadd.s32 s4, s15;
	s16 =	sadd.s32 s4, s16;
	s24 =	smul.u32 $0x2800, s18  }
0x13: {  	s5 =	sadd.s32 $0xE00, s5;
	s6 =	smax.u32 s6, $0x1;
	s8 =	sadd.s32 s8, s2  }
0x14: {  	s9 =	sadd.s32 s9, s2;
	s10 =	sadd.s32 s10, s2;
	s19 =	smul.u32 $0xA000, s23  }
0x15: {  	s11 =	sadd.s32 s11, s2;
	s12 =	sadd.s32 s12, s2;
	s13 =	sadd.s32 s13, s2  }
0x16: {  	s15 =	sshrl.u32 s15, $0x3;
	s16 =	sshrl.u32 s16, $0x3;
	s22 =	smul.u32 $0x2800, s23  }
0x17: {  	p0 =	sgt.u32 s23, $0x7C;
	s23 =	simm.s32 $0x400;
	[dreg:$0x4] =	wrdreg s6  }
0x18: {  	s20 =	sadd.s32 s4, s20;
	s6 =	smul.u32 $0x2800, s25;
	s18 =	sadd.s32 s0, s15  }
0x19: {  	s19 =	sshrl.u32 s19, $0x2;
	s26 =	sshrl.u32 s20, $0x3;
	s20 =	sadd.s32 s4, s21  }
0x1a: {  	s21 =	smul.u32 $0x2800, s17;
	s14 =	sadd.s32 s19, s2;
	s19 =	sadd.s32 s0, s26  }
0x1b: {  	s6 =	sadd.s32 s4, s6;
	s26 =	sadd.s32 s4, s24;
	s24 =	simm.s32 $0x2  }
0x1c: {  	[dreg:$0x5] =	wrdreg s19;
	s19 =	sshrl.u32 s20, $0x3;
	s6 =	sshrl.u32 s6, $0x3  }
0x1d: {  	s25 =	sadd.s32 s4, s21;
	s4 =	sadd.s32 s4, s22;
	s15 =	sshrl.u32 s26, $0x3  }
0x1e: {  	s26 =	simm.s32 $0x4400;
	s19 =	sadd.s32 s0, s19;
	s6 =	sadd.s32 s0, s6  }
0x1f: {  	s4 =	sshrl.u32 s4, $0x3;
	s21 =	sadd.s32 s0, s15;
	[dreg:$0x6] =	wrdreg s19  }
0x20: {  	[dreg:$0x7] =	wrdreg s6;
	s19 =	sadd.s32 s0, s16;
	s6 =	sshrl.u32 s25, $0x3  }
0x21: {  	v0 =	vimm.f32 $0.0e+00;
	s22 =	sadd.s32 s0, s4;
	s25 =	simm.s32 $0x80;
	s20 =	sadd.s32 s0, s6  }
.LBB2_1:
0x22: {  	s0 =	simm.s32 $0x0;
	s4 =	simm.s32 $0x200  }
.LBB2_2:
0x23: {  	p1 =	sne.s32 s4, $0x9E00;
	[tilespmem:s0+$0x470] =	vst v0  }
0x24: {  	[tilespmem:s0+$0x400] =	vst v0  }
0x25: {  	[tilespmem:s0+$0x410] =	vst v0  }
.Ltmp0:
0x26: {  	[tilespmem:s0+$0x420] =	vst v0;
	(pc) =	sbr.rel @p1 .LBB2_2-.Ltmp0, $4  }
0x27: {  	[tilespmem:s0+$0x430] =	vst v0  }
0x28: {  	[tilespmem:s0+$0x440] =	vst v0  }
0x29: {  	[tilespmem:s0+$0x450] =	vst v0  }
0x2a: {  	[tilespmem:s0+$0x460] =	vst v0;
	s0 =	sshra.s32 s4, $0x2;
	s4 =	sadd.s32 $0x200, s4  }
0x2b: {  	[tilespmem:s0+$0x470] =	vst v0  }
0x2c: {  	[tilespmem:s0+$0x400] =	vst v0  }
0x2d: {  	[tilespmem:s0+$0x410] =	vst v0  }
0x2e: {  	[tilespmem:s0+$0x420] =	vst v0  }
0x2f: {  	[tilespmem:s0+$0x430] =	vst v0  }
0x30: {  	[tilespmem:s0+$0x440] =	vst v0  }
0x31: {  	[tilespmem:s0+$0x450] =	vst v0  }
0x32: {  	[tilespmem:s0+$0x460] =	vst v0  }
0x33: {  	[spmem:s7] =	stream.linear.scatter [tilespmem:s23], [sflag:$0x2], $0x2800, $0x38;
	[tilespmem:$0x1BC80] =	vst v63  }
0x34: {  	_ =	swait.ge [sflag:s24], $0x2800  }
0x35: {  	[sflag:s24] =	ssyncset.done $0x0  }
0x36: {  	[sflag:s24] =	ssyncadd.s32 $0xFFFFD800  }
0x37: {  	[spmem:s8] =	stream.linear.scatter [tilespmem:s23], [sflag:$0x2], $0x2800, $0x38;
	[tilespmem:$0x1BC80] =	vst v63  }
0x38: {  	_ =	swait.ge [sflag:s24], $0x2800  }
0x39: {  	[sflag:s24] =	ssyncset.done $0x0  }
0x3a: {  	[sflag:s24] =	ssyncadd.s32 $0xFFFFD800  }
0x3b: {  	[spmem:s9] =	stream.linear.scatter [tilespmem:s23], [sflag:$0x2], $0x2800, $0x38;
	[tilespmem:$0x1BC80] =	vst v63  }
0x3c: {  	_ =	swait.ge [sflag:s24], $0x2800  }
0x3d: {  	[sflag:s24] =	ssyncset.done $0x0  }
0x3e: {  	[sflag:s24] =	ssyncadd.s32 $0xFFFFD800  }
0x3f: {  	[spmem:s10] =	stream.linear.scatter [tilespmem:s23], [sflag:$0x2], $0x2800, $0x38;
	[tilespmem:$0x1BC80] =	vst v63  }
0x40: {  	_ =	swait.ge [sflag:s24], $0x2800  }
0x41: {  	[sflag:s24] =	ssyncset.done $0x0  }
0x42: {  	[sflag:s24] =	ssyncadd.s32 $0xFFFFD800  }
0x43: {  	[spmem:s11] =	stream.linear.scatter [tilespmem:s23], [sflag:$0x2], $0x2800, $0x38;
	[tilespmem:$0x1BC80] =	vst v63  }
0x44: {  	_ =	swait.ge [sflag:s24], $0x2800  }
0x45: {  	[sflag:s24] =	ssyncset.done $0x0  }
0x46: {  	[sflag:s24] =	ssyncadd.s32 $0xFFFFD800  }
0x47: {  	[spmem:s12] =	stream.linear.scatter [tilespmem:s23], [sflag:$0x2], $0x2800, $0x38;
	[tilespmem:$0x1BC80] =	vst v63  }
0x48: {  	_ =	swait.ge [sflag:s24], $0x2800  }
0x49: {  	[sflag:s24] =	ssyncset.done $0x0  }
0x4a: {  	[sflag:s24] =	ssyncadd.s32 $0xFFFFD800  }
0x4b: {  	[spmem:s13] =	stream.linear.scatter [tilespmem:s23], [sflag:$0x2], $0x2800, $0x38;
	[tilespmem:$0x1BC80] =	vst v63  }
0x4c: {  	_ =	swait.ge [sflag:s24], $0x2800  }
0x4d: {  	[sflag:s24] =	ssyncset.done $0x0  }
0x4e: {  	s0 =	simm.s32 @!p0 $0x400;
	[sflag:s24] =	ssyncadd.s32 $0xFFFFD800  }
0x4f: {  	[spmem:s14] =	stream.linear.scatter @!p0 [tilespmem:s0], [sflag:$0x2], $0x2800, $0x38;
	[tilespmem:$0x1BC80] =	vst v63  }
0x50: {  	s0 =	simm.s32 @!p0 $0x2  }
0x51: {  	_ =	swait.ge @!p0 [sflag:s0], $0x2800  }
0x52: {  	[sflag:s0] =	ssyncset.done @!p0 $0x0  }
0x53: {  	[sflag:s0] =	ssyncadd.s32 @!p0 $0xFFFFD800  }
0x54: {  	s4 =	simm.s32 $0x0;
	s0 =	simm.s32 $0x0;
	[bflag:$0x0] =	sbarrier.arrive $0xFFFF  }
.LBB2_4:
0x55: {  	s6 =	sshll.u32 s4, $0xC  }
0x56: {  	s6 =	sadd.s32 s6, s5  }
0x57: {  	[tilespmem:s0], [sflag:$0x2] =	stream.linear.gather [hbm4b:s6+s0], $0x400, $0x38;
	[tilespmem:$0x1BC80] =	vst v63  }
0x58: {  	_ =	swait.ge [sflag:s24], $0x400  }
0x59: {  	[sflag:s24] =	ssyncset.done $0x0  }
0x5a: {  	[sflag:s24] =	ssyncadd.s32 $0xFFFFFC00  }
0x5b: {  	[tilespmem:s23], [sflag:$0x1] =	stream.indirect.gather [hbm4b:s1+s25], $0x80, s0, s25, $0xb8;
	[tilespmem:$0x1BC80] =	vst v63  }
0x5c: {  	_ = 	snop  }
0x5d: {  	[tilespmem:s26], [sflag:$0x1] =	stream.indirect.gather [hbm4b:s1+s25], $0x80, s25, s25, $0xb8;
	[tilespmem:$0x1BC80] =	vst v63  }
0x5e: {  	_ =	swait.ge [sflag:s28], $0x4000  }
0x5f: {  	[sflag:s28] =	ssyncset.done $0x0  }
0x60: {  	[sflag:s28] =	ssyncadd.s32 $0xFFFFC000  }
0x61: {  	_ =	swait.ge [sflag:s28], $0x4000  }
0x62: {  	[sflag:s28] =	ssyncset.done $0x0  }
0x63: {  	s6 =	simm.s32 $0x0;
	[sflag:s28] =	ssyncadd.s32 $0xFFFFC000  }
.LBB2_5:
0x64: {  	s16 =	sshll.u32 s6, $0x4  }
0x65: {  	s15 =	sor.u32 $0x200, s16  }
0x66: {  	v1 =	vmov s15;
	_ =	sdelay $0x1  }
0x67: {  	s17 =	sshll.u32 s6, $0xB  }
0x68: {  	s15 =	sand.u32 $0x3FFFF800, s17  }
0x69: {  	v2 =	vld [tilespmem:s15+$0x400]  }
0x6a: {  	v1 =	vld.idx.msk [tilespmem:v1+s3+$0x0], $0xffff  }
0x6b: {  	v3 =	vld [tilespmem:s15+$0x410]  }
0x6c: {  	v4 =	vld [tilespmem:s15+$0x420]  }
0x6d: {  	v5 =	vld [tilespmem:s15+$0x430]  }
0x6e: {  	v6 =	vld [tilespmem:s15+$0x440]  }
0x6f: {  	v7 =	vld [tilespmem:s15+$0x450];
	v2 =	vmul.f32 v1, v2  }
0x70: {  	v8 =	vld [tilespmem:s15+$0x460];
	v3 =	vmul.f32 v1, v3  }
0x71: {  	v10 =	vld [tilespmem:s15+$0x470];
	[tilespmem:s15+$0x400] =	vst v2;
	v2 =	vmul.f32 v1, v4  }
0x72: {  	[tilespmem:s15+$0x410] =	vst v3;
	v3 =	vmul.f32 v1, v5  }
0x73: {  	s17 =	sor.u32 $0x201, s16;
	[tilespmem:s15+$0x420] =	vst v2;
	v2 =	vmul.f32 v1, v6  }
0x74: {  	v11 =	vmov s17;
	[tilespmem:s15+$0x430] =	vst v3;
	v3 =	vmul.f32 v1, v7  }
0x75: {  	[tilespmem:s15+$0x440] =	vst v2;
	v2 =	vmul.f32 v1, v8  }
0x76: {  	[tilespmem:s15+$0x450] =	vst v3;
	v1 =	vmul.f32 v1, v10  }
0x77: {  	[tilespmem:s15+$0x460] =	vst v2  }
0x78: {  	[tilespmem:s15+$0x470] =	vst v1;
	v2 =	vld [tilespmem:s15+$0x480]  }
0x79: {  	v1 =	vld.idx.msk [tilespmem:v11+s3+$0x0], $0xffff  }
0x7a: {  	v3 =	vld [tilespmem:s15+$0x490]  }
0x7b: {  	v12 =	vld [tilespmem:s15+$0x4A0]  }
0x7c: {  	v13 =	vld [tilespmem:s15+$0x4B0]  }
0x7d: {  	v14 =	vld [tilespmem:s15+$0x4C0]  }
0x7e: {  	v15 =	vld [tilespmem:s15+$0x4D0];
	v2 =	vmul.f32 v1, v2  }
0x7f: {  	v16 =	vld [tilespmem:s15+$0x4E0];
	v3 =	vmul.f32 v1, v3  }
0x80: {  	v17 =	vld [tilespmem:s15+$0x4F0];
	[tilespmem:s15+$0x480] =	vst v2;
	v2 =	vmul.f32 v1, v12  }
0x81: {  	[tilespmem:s15+$0x490] =	vst v3;
	v3 =	vmul.f32 v1, v13  }
0x82: {  	s17 =	sor.u32 $0x202, s16;
	[tilespmem:s15+$0x4A0] =	vst v2;
	v2 =	vmul.f32 v1, v14  }
0x83: {  	v18 =	vmov s17;
	[tilespmem:s15+$0x4B0] =	vst v3;
	v3 =	vmul.f32 v1, v15  }
0x84: {  	[tilespmem:s15+$0x4C0] =	vst v2;
	v2 =	vmul.f32 v1, v16  }
0x85: {  	[tilespmem:s15+$0x4D0] =	vst v3;
	v1 =	vmul.f32 v1, v17  }
0x86: {  	[tilespmem:s15+$0x4E0] =	vst v2  }
0x87: {  	[tilespmem:s15+$0x4F0] =	vst v1;
	v2 =	vld [tilespmem:s15+$0x500]  }
0x88: {  	v1 =	vld.idx.msk [tilespmem:v18+s3+$0x0], $0xffff  }
0x89: {  	v3 =	vld [tilespmem:s15+$0x510]  }
0x8a: {  	v19 =	vld [tilespmem:s15+$0x520]  }
0x8b: {  	v20 =	vld [tilespmem:s15+$0x530]  }
0x8c: {  	v21 =	vld [tilespmem:s15+$0x540]  }
0x8d: {  	v22 =	vld [tilespmem:s15+$0x550];
	v2 =	vmul.f32 v1, v2  }
0x8e: {  	v23 =	vld [tilespmem:s15+$0x560];
	v3 =	vmul.f32 v1, v3  }
0x8f: {  	v24 =	vld [tilespmem:s15+$0x570];
	[tilespmem:s15+$0x500] =	vst v2;
	v2 =	vmul.f32 v1, v19  }
0x90: {  	[tilespmem:s15+$0x510] =	vst v3;
	v3 =	vmul.f32 v1, v20  }
0x91: {  	s17 =	sor.u32 $0x203, s16;
	[tilespmem:s15+$0x520] =	vst v2;
	v2 =	vmul.f32 v1, v21  }
0x92: {  	v25 =	vmov s17;
	[tilespmem:s15+$0x530] =	vst v3;
	v3 =	vmul.f32 v1, v22  }
0x93: {  	[tilespmem:s15+$0x540] =	vst v2;
	v2 =	vmul.f32 v1, v23  }
0x94: {  	[tilespmem:s15+$0x550] =	vst v3;
	v1 =	vmul.f32 v1, v24  }
0x95: {  	[tilespmem:s15+$0x560] =	vst v2  }
0x96: {  	[tilespmem:s15+$0x570] =	vst v1;
	v2 =	vld [tilespmem:s15+$0x580]  }
0x97: {  	v1 =	vld.idx.msk [tilespmem:v25+s3+$0x0], $0xffff  }
0x98: {  	v3 =	vld [tilespmem:s15+$0x590]  }
0x99: {  	v26 =	vld [tilespmem:s15+$0x5A0]  }
0x9a: {  	v27 =	vld [tilespmem:s15+$0x5B0]  }
0x9b: {  	v28 =	vld [tilespmem:s15+$0x5C0]  }
0x9c: {  	v29 =	vld [tilespmem:s15+$0x5D0];
	v2 =	vmul.f32 v1, v2  }
0x9d: {  	v30 =	vld [tilespmem:s15+$0x5E0];
	v3 =	vmul.f32 v1, v3  }
0x9e: {  	v31 =	vld [tilespmem:s15+$0x5F0];
	[tilespmem:s15+$0x580] =	vst v2;
	v2 =	vmul.f32 v1, v26  }
0x9f: {  	[tilespmem:s15+$0x590] =	vst v3;
	v3 =	vmul.f32 v1, v27  }
0xa0: {  	s17 =	sor.u32 $0x204, s16;
	[tilespmem:s15+$0x5A0] =	vst v2;
	v2 =	vmul.f32 v1, v28  }
0xa1: {  	v32 =	vmov s17;
	[tilespmem:s15+$0x5B0] =	vst v3;
	v3 =	vmul.f32 v1, v29  }
0xa2: {  	[tilespmem:s15+$0x5C0] =	vst v2;
	v2 =	vmul.f32 v1, v30  }
0xa3: {  	[tilespmem:s15+$0x5D0] =	vst v3;
	v1 =	vmul.f32 v1, v31  }
0xa4: {  	[tilespmem:s15+$0x5E0] =	vst v2  }
0xa5: {  	[tilespmem:s15+$0x5F0] =	vst v1;
	v2 =	vld [tilespmem:s15+$0x600]  }
0xa6: {  	v1 =	vld.idx.msk [tilespmem:v32+s3+$0x0], $0xffff  }
0xa7: {  	v3 =	vld [tilespmem:s15+$0x610]  }
0xa8: {  	v33 =	vld [tilespmem:s15+$0x620]  }
0xa9: {  	v34 =	vld [tilespmem:s15+$0x630]  }
0xaa: {  	v35 =	vld [tilespmem:s15+$0x640]  }
0xab: {  	v36 =	vld [tilespmem:s15+$0x650];
	v2 =	vmul.f32 v1, v2  }
0xac: {  	v37 =	vld [tilespmem:s15+$0x660];
	v3 =	vmul.f32 v1, v3  }
0xad: {  	v38 =	vld [tilespmem:s15+$0x670];
	[tilespmem:s15+$0x600] =	vst v2;
	v2 =	vmul.f32 v1, v33  }
0xae: {  	[tilespmem:s15+$0x610] =	vst v3;
	v3 =	vmul.f32 v1, v34  }
0xaf: {  	s17 =	sor.u32 $0x205, s16;
	[tilespmem:s15+$0x620] =	vst v2;
	v2 =	vmul.f32 v1, v35  }
0xb0: {  	v39 =	vmov s17;
	[tilespmem:s15+$0x630] =	vst v3;
	v3 =	vmul.f32 v1, v36  }
0xb1: {  	[tilespmem:s15+$0x640] =	vst v2;
	v2 =	vmul.f32 v1, v37  }
0xb2: {  	[tilespmem:s15+$0x650] =	vst v3;
	v1 =	vmul.f32 v1, v38  }
0xb3: {  	[tilespmem:s15+$0x660] =	vst v2  }
0xb4: {  	[tilespmem:s15+$0x670] =	vst v1;
	v2 =	vld [tilespmem:s15+$0x680]  }
0xb5: {  	v1 =	vld.idx.msk [tilespmem:v39+s3+$0x0], $0xffff  }
0xb6: {  	v3 =	vld [tilespmem:s15+$0x690]  }
0xb7: {  	v40 =	vld [tilespmem:s15+$0x6A0]  }
0xb8: {  	v41 =	vld [tilespmem:s15+$0x6B0]  }
0xb9: {  	v42 =	vld [tilespmem:s15+$0x6C0]  }
0xba: {  	v43 =	vld [tilespmem:s15+$0x6D0];
	v2 =	vmul.f32 v1, v2  }
0xbb: {  	v44 =	vld [tilespmem:s15+$0x6E0];
	v3 =	vmul.f32 v1, v3  }
0xbc: {  	v45 =	vld [tilespmem:s15+$0x6F0];
	[tilespmem:s15+$0x680] =	vst v2;
	v2 =	vmul.f32 v1, v40  }
0xbd: {  	[tilespmem:s15+$0x690] =	vst v3;
	v3 =	vmul.f32 v1, v41  }
0xbe: {  	s17 =	sor.u32 $0x206, s16;
	[tilespmem:s15+$0x6A0] =	vst v2;
	v2 =	vmul.f32 v1, v42  }
0xbf: {  	v46 =	vmov s17;
	[tilespmem:s15+$0x6B0] =	vst v3;
	v3 =	vmul.f32 v1, v43  }
0xc0: {  	[tilespmem:s15+$0x6C0] =	vst v2;
	v2 =	vmul.f32 v1, v44  }
0xc1: {  	[tilespmem:s15+$0x6D0] =	vst v3;
	v1 =	vmul.f32 v1, v45  }
0xc2: {  	[tilespmem:s15+$0x6E0] =	vst v2  }
0xc3: {  	[tilespmem:s15+$0x6F0] =	vst v1;
	v2 =	vld [tilespmem:s15+$0x700]  }
0xc4: {  	v1 =	vld.idx.msk [tilespmem:v46+s3+$0x0], $0xffff  }
0xc5: {  	v3 =	vld [tilespmem:s15+$0x710]  }
0xc6: {  	v47 =	vld [tilespmem:s15+$0x720]  }
0xc7: {  	v48 =	vld [tilespmem:s15+$0x730]  }
0xc8: {  	v49 =	vld [tilespmem:s15+$0x740]  }
0xc9: {  	v50 =	vld [tilespmem:s15+$0x750];
	v2 =	vmul.f32 v1, v2  }
0xca: {  	v51 =	vld [tilespmem:s15+$0x760];
	v3 =	vmul.f32 v1, v3  }
0xcb: {  	v52 =	vld [tilespmem:s15+$0x770];
	[tilespmem:s15+$0x700] =	vst v2;
	v2 =	vmul.f32 v1, v47  }
0xcc: {  	[tilespmem:s15+$0x710] =	vst v3;
	v3 =	vmul.f32 v1, v48  }
0xcd: {  	s17 =	sor.u32 $0x207, s16;
	[tilespmem:s15+$0x720] =	vst v2;
	v2 =	vmul.f32 v1, v49  }
0xce: {  	v53 =	vmov s17;
	[tilespmem:s15+$0x730] =	vst v3;
	v3 =	vmul.f32 v1, v50  }
0xcf: {  	[tilespmem:s15+$0x740] =	vst v2;
	v2 =	vmul.f32 v1, v51  }
0xd0: {  	[tilespmem:s15+$0x750] =	vst v3;
	v1 =	vmul.f32 v1, v52  }
0xd1: {  	[tilespmem:s15+$0x760] =	vst v2  }
0xd2: {  	[tilespmem:s15+$0x770] =	vst v1;
	v2 =	vld [tilespmem:s15+$0x780]  }
0xd3: {  	v1 =	vld.idx.msk [tilespmem:v53+s3+$0x0], $0xffff  }
0xd4: {  	v3 =	vld [tilespmem:s15+$0x790]  }
0xd5: {  	v54 =	vld [tilespmem:s15+$0x7A0]  }
0xd6: {  	v55 =	vld [tilespmem:s15+$0x7B0]  }
0xd7: {  	v56 =	vld [tilespmem:s15+$0x7C0]  }
0xd8: {  	v57 =	vld [tilespmem:s15+$0x7D0];
	v2 =	vmul.f32 v1, v2  }
0xd9: {  	v58 =	vld [tilespmem:s15+$0x7E0];
	v3 =	vmul.f32 v1, v3  }
0xda: {  	v59 =	vld [tilespmem:s15+$0x7F0];
	[tilespmem:s15+$0x780] =	vst v2;
	v2 =	vmul.f32 v1, v54  }
0xdb: {  	[tilespmem:s15+$0x790] =	vst v3;
	v3 =	vmul.f32 v1, v55  }
0xdc: {  	s17 =	sor.u32 $0x208, s16;
	[tilespmem:s15+$0x7A0] =	vst v2;
	v2 =	vmul.f32 v1, v56  }
0xdd: {  	v60 =	vmov s17;
	[tilespmem:s15+$0x7B0] =	vst v3;
	v3 =	vmul.f32 v1, v57  }
0xde: {  	[tilespmem:s15+$0x7C0] =	vst v2;
	v2 =	vmul.f32 v1, v58  }
0xdf: {  	[tilespmem:s15+$0x7D0] =	vst v3;
	v1 =	vmul.f32 v1, v59  }
0xe0: {  	[tilespmem:s15+$0x7E0] =	vst v2  }
0xe1: {  	[tilespmem:s15+$0x7F0] =	vst v1;
	v2 =	vld [tilespmem:s15+$0x800]  }
0xe2: {  	v1 =	vld.idx.msk [tilespmem:v60+s3+$0x0], $0xffff  }
0xe3: {  	v3 =	vld [tilespmem:s15+$0x810]  }
0xe4: {  	v61 =	vld [tilespmem:s15+$0x820]  }
0xe5: {  	v62 =	vld [tilespmem:s15+$0x830]  }
0xe6: {  	v63 =	vld [tilespmem:s15+$0x840]  }
0xe7: {  	v12 =	vld [tilespmem:s15+$0x850];
	v2 =	vmul.f32 v1, v2  }
0xe8: {  	v13 =	vld [tilespmem:s15+$0x860];
	v3 =	vmul.f32 v1, v3  }
0xe9: {  	v14 =	vld [tilespmem:s15+$0x870];
	[tilespmem:s15+$0x800] =	vst v2;
	v2 =	vmul.f32 v1, v61  }
0xea: {  	[tilespmem:s15+$0x810] =	vst v3;
	v3 =	vmul.f32 v1, v62  }
0xeb: {  	s17 =	sor.u32 $0x209, s16;
	[tilespmem:s15+$0x820] =	vst v2;
	v2 =	vmul.f32 v1, v63  }
0xec: {  	v15 =	vmov s17;
	[tilespmem:s15+$0x830] =	vst v3;
	v3 =	vmul.f32 v1, v12  }
0xed: {  	[tilespmem:s15+$0x840] =	vst v2;
	v2 =	vmul.f32 v1, v13  }
0xee: {  	[tilespmem:s15+$0x850] =	vst v3;
	v1 =	vmul.f32 v1, v14  }
0xef: {  	[tilespmem:s15+$0x860] =	vst v2  }
0xf0: {  	[tilespmem:s15+$0x870] =	vst v1;
	v2 =	vld [tilespmem:s15+$0x880]  }
0xf1: {  	v1 =	vld.idx.msk [tilespmem:v15+s3+$0x0], $0xffff  }
0xf2: {  	v3 =	vld [tilespmem:s15+$0x890]  }
0xf3: {  	v16 =	vld [tilespmem:s15+$0x8A0]  }
0xf4: {  	v17 =	vld [tilespmem:s15+$0x8B0]  }
0xf5: {  	v18 =	vld [tilespmem:s15+$0x8C0]  }
0xf6: {  	v19 =	vld [tilespmem:s15+$0x8D0];
	v2 =	vmul.f32 v1, v2  }
0xf7: {  	v20 =	vld [tilespmem:s15+$0x8E0];
	v3 =	vmul.f32 v1, v3  }
0xf8: {  	v21 =	vld [tilespmem:s15+$0x8F0];
	[tilespmem:s15+$0x880] =	vst v2;
	v2 =	vmul.f32 v1, v16  }
0xf9: {  	[tilespmem:s15+$0x890] =	vst v3;
	v3 =	vmul.f32 v1, v17  }
0xfa: {  	s17 =	sor.u32 $0x20A, s16;
	[tilespmem:s15+$0x8A0] =	vst v2;
	v2 =	vmul.f32 v1, v18  }
0xfb: {  	v22 =	vmov s17;
	[tilespmem:s15+$0x8B0] =	vst v3;
	v3 =	vmul.f32 v1, v19  }
0xfc: {  	[tilespmem:s15+$0x8C0] =	vst v2;
	v2 =	vmul.f32 v1, v20  }
0xfd: {  	[tilespmem:s15+$0x8D0] =	vst v3;
	v1 =	vmul.f32 v1, v21  }
0xfe: {  	[tilespmem:s15+$0x8E0] =	vst v2  }
0xff: {  	[tilespmem:s15+$0x8F0] =	vst v1;
	v2 =	vld [tilespmem:s15+$0x900]  }
0x100: {  	v1 =	vld.idx.msk [tilespmem:v22+s3+$0x0], $0xffff  }
0x101: {  	v3 =	vld [tilespmem:s15+$0x910]  }
0x102: {  	v23 =	vld [tilespmem:s15+$0x920]  }
0x103: {  	v24 =	vld [tilespmem:s15+$0x930]  }
0x104: {  	v25 =	vld [tilespmem:s15+$0x940]  }
0x105: {  	v26 =	vld [tilespmem:s15+$0x950];
	v2 =	vmul.f32 v1, v2  }
0x106: {  	v27 =	vld [tilespmem:s15+$0x960];
	v3 =	vmul.f32 v1, v3  }
0x107: {  	v28 =	vld [tilespmem:s15+$0x970];
	[tilespmem:s15+$0x900] =	vst v2;
	v2 =	vmul.f32 v1, v23  }
0x108: {  	[tilespmem:s15+$0x910] =	vst v3;
	v3 =	vmul.f32 v1, v24  }
0x109: {  	s17 =	sor.u32 $0x20B, s16;
	[tilespmem:s15+$0x920] =	vst v2;
	v2 =	vmul.f32 v1, v25  }
0x10a: {  	v29 =	vmov s17;
	[tilespmem:s15+$0x930] =	vst v3;
	v3 =	vmul.f32 v1, v26  }
0x10b: {  	[tilespmem:s15+$0x940] =	vst v2;
	v2 =	vmul.f32 v1, v27  }
0x10c: {  	[tilespmem:s15+$0x950] =	vst v3;
	v1 =	vmul.f32 v1, v28  }
0x10d: {  	[tilespmem:s15+$0x960] =	vst v2  }
0x10e: {  	[tilespmem:s15+$0x970] =	vst v1;
	v2 =	vld [tilespmem:s15+$0x980]  }
0x10f: {  	v1 =	vld.idx.msk [tilespmem:v29+s3+$0x0], $0xffff  }
0x110: {  	v3 =	vld [tilespmem:s15+$0x990]  }
0x111: {  	v30 =	vld [tilespmem:s15+$0x9A0]  }
0x112: {  	v31 =	vld [tilespmem:s15+$0x9B0]  }
0x113: {  	v32 =	vld [tilespmem:s15+$0x9C0]  }
0x114: {  	v33 =	vld [tilespmem:s15+$0x9D0];
	v2 =	vmul.f32 v1, v2  }
0x115: {  	v34 =	vld [tilespmem:s15+$0x9E0];
	v3 =	vmul.f32 v1, v3  }
0x116: {  	v35 =	vld [tilespmem:s15+$0x9F0];
	[tilespmem:s15+$0x980] =	vst v2;
	v2 =	vmul.f32 v1, v30  }
0x117: {  	[tilespmem:s15+$0x990] =	vst v3;
	v3 =	vmul.f32 v1, v31  }
0x118: {  	s17 =	sor.u32 $0x20C, s16;
	[tilespmem:s15+$0x9A0] =	vst v2;
	v2 =	vmul.f32 v1, v32  }
0x119: {  	v36 =	vmov s17;
	[tilespmem:s15+$0x9B0] =	vst v3;
	v3 =	vmul.f32 v1, v33  }
0x11a: {  	[tilespmem:s15+$0x9C0] =	vst v2;
	v2 =	vmul.f32 v1, v34  }
0x11b: {  	[tilespmem:s15+$0x9D0] =	vst v3;
	v1 =	vmul.f32 v1, v35  }
0x11c: {  	[tilespmem:s15+$0x9E0] =	vst v2  }
0x11d: {  	[tilespmem:s15+$0x9F0] =	vst v1;
	v2 =	vld [tilespmem:s15+$0xA00]  }
0x11e: {  	v1 =	vld.idx.msk [tilespmem:v36+s3+$0x0], $0xffff  }
0x11f: {  	v3 =	vld [tilespmem:s15+$0xA10]  }
0x120: {  	v37 =	vld [tilespmem:s15+$0xA20]  }
0x121: {  	v38 =	vld [tilespmem:s15+$0xA30]  }
0x122: {  	v39 =	vld [tilespmem:s15+$0xA40]  }
0x123: {  	v40 =	vld [tilespmem:s15+$0xA50];
	v2 =	vmul.f32 v1, v2  }
0x124: {  	v41 =	vld [tilespmem:s15+$0xA60];
	v3 =	vmul.f32 v1, v3  }
0x125: {  	v42 =	vld [tilespmem:s15+$0xA70];
	[tilespmem:s15+$0xA00] =	vst v2;
	v2 =	vmul.f32 v1, v37  }
0x126: {  	[tilespmem:s15+$0xA10] =	vst v3;
	v3 =	vmul.f32 v1, v38  }
0x127: {  	s17 =	sor.u32 $0x20D, s16;
	[tilespmem:s15+$0xA20] =	vst v2;
	v2 =	vmul.f32 v1, v39  }
0x128: {  	v43 =	vmov s17;
	[tilespmem:s15+$0xA30] =	vst v3;
	v3 =	vmul.f32 v1, v40  }
0x129: {  	[tilespmem:s15+$0xA40] =	vst v2;
	v2 =	vmul.f32 v1, v41  }
0x12a: {  	[tilespmem:s15+$0xA50] =	vst v3;
	v1 =	vmul.f32 v1, v42  }
0x12b: {  	[tilespmem:s15+$0xA60] =	vst v2  }
0x12c: {  	[tilespmem:s15+$0xA70] =	vst v1;
	v2 =	vld [tilespmem:s15+$0xA80]  }
0x12d: {  	v1 =	vld.idx.msk [tilespmem:v43+s3+$0x0], $0xffff  }
0x12e: {  	v3 =	vld [tilespmem:s15+$0xA90]  }
0x12f: {  	v44 =	vld [tilespmem:s15+$0xAA0]  }
0x130: {  	v45 =	vld [tilespmem:s15+$0xAB0]  }
0x131: {  	v46 =	vld [tilespmem:s15+$0xAC0]  }
0x132: {  	v47 =	vld [tilespmem:s15+$0xAD0];
	v2 =	vmul.f32 v1, v2  }
0x133: {  	v48 =	vld [tilespmem:s15+$0xAE0];
	v3 =	vmul.f32 v1, v3  }
0x134: {  	v49 =	vld [tilespmem:s15+$0xAF0];
	[tilespmem:s15+$0xA80] =	vst v2;
	v2 =	vmul.f32 v1, v44  }
0x135: {  	[tilespmem:s15+$0xA90] =	vst v3;
	v3 =	vmul.f32 v1, v45  }
0x136: {  	s17 =	sor.u32 $0x20E, s16;
	[tilespmem:s15+$0xAA0] =	vst v2;
	v2 =	vmul.f32 v1, v46  }
0x137: {  	v50 =	vmov s17;
	[tilespmem:s15+$0xAB0] =	vst v3;
	v3 =	vmul.f32 v1, v47  }
0x138: {  	[tilespmem:s15+$0xAC0] =	vst v2;
	v2 =	vmul.f32 v1, v48  }
0x139: {  	[tilespmem:s15+$0xAD0] =	vst v3;
	v1 =	vmul.f32 v1, v49  }
0x13a: {  	[tilespmem:s15+$0xAE0] =	vst v2  }
0x13b: {  	[tilespmem:s15+$0xAF0] =	vst v1;
	v2 =	vld [tilespmem:s15+$0xB00]  }
0x13c: {  	v1 =	vld.idx.msk [tilespmem:v50+s3+$0x0], $0xffff  }
0x13d: {  	v3 =	vld [tilespmem:s15+$0xB10]  }
0x13e: {  	v51 =	vld [tilespmem:s15+$0xB20]  }
0x13f: {  	v52 =	vld [tilespmem:s15+$0xB30]  }
0x140: {  	v53 =	vld [tilespmem:s15+$0xB40]  }
0x141: {  	v54 =	vld [tilespmem:s15+$0xB50];
	v2 =	vmul.f32 v1, v2  }
0x142: {  	v55 =	vld [tilespmem:s15+$0xB60];
	v3 =	vmul.f32 v1, v3  }
0x143: {  	v56 =	vld [tilespmem:s15+$0xB70];
	[tilespmem:s15+$0xB00] =	vst v2;
	v2 =	vmul.f32 v1, v51  }
0x144: {  	[tilespmem:s15+$0xB10] =	vst v3;
	v3 =	vmul.f32 v1, v52  }
0x145: {  	s16 =	sor.u32 $0x20F, s16;
	[tilespmem:s15+$0xB20] =	vst v2;
	v2 =	vmul.f32 v1, v53  }
0x146: {  	v57 =	vmov s16;
	[tilespmem:s15+$0xB30] =	vst v3;
	v3 =	vmul.f32 v1, v54  }
0x147: {  	[tilespmem:s15+$0xB40] =	vst v2;
	v2 =	vmul.f32 v1, v55  }
0x148: {  	[tilespmem:s15+$0xB50] =	vst v3;
	v1 =	vmul.f32 v1, v56  }
0x149: {  	[tilespmem:s15+$0xB60] =	vst v2  }
0x14a: {  	[tilespmem:s15+$0xB70] =	vst v1;
	v2 =	vld [tilespmem:s15+$0xB80]  }
0x14b: {  	v1 =	vld.idx.msk [tilespmem:v57+s3+$0x0], $0xffff  }
0x14c: {  	v3 =	vld [tilespmem:s15+$0xB90]  }
0x14d: {  	v58 =	vld [tilespmem:s15+$0xBA0]  }
0x14e: {  	v59 =	vld [tilespmem:s15+$0xBB0]  }
0x14f: {  	v60 =	vld [tilespmem:s15+$0xBC0]  }
0x150: {  	v61 =	vld [tilespmem:s15+$0xBD0];
	v2 =	vmul.f32 v1, v2  }
0x151: {  	v62 =	vld [tilespmem:s15+$0xBE0];
	v3 =	vmul.f32 v1, v3  }
0x152: {  	v63 =	vld [tilespmem:s15+$0xBF0];
	[tilespmem:s15+$0xB80] =	vst v2;
	v2 =	vmul.f32 v1, v58  }
0x153: {  	[tilespmem:s15+$0xB90] =	vst v3;
	v3 =	vmul.f32 v1, v59  }
0x154: {  	p1 =	sne.s32 s6, $0xF;
	[tilespmem:s15+$0xBA0] =	vst v2;
	v2 =	vmul.f32 v1, v60  }
.Ltmp1:
0x155: {  	[tilespmem:s15+$0xBB0] =	vst v3;
	v3 =	vmul.f32 v1, v61;
	(pc) =	sbr.rel @p1 .LBB2_5-.Ltmp1, $4  }
0x156: {  	[tilespmem:s15+$0xBC0] =	vst v2;
	v2 =	vmul.f32 v1, v62  }
0x157: {  	[tilespmem:s15+$0xBD0] =	vst v3;
	v1 =	vmul.f32 v1, v63  }
0x158: {  	[tilespmem:s15+$0xBE0] =	vst v2  }
0x159: {  	s6 =	sadd.s32 $0x1, s6;
	[tilespmem:s15+$0xBF0] =	vst v1  }
0x15a: {  	[spmem:s2] =	stream.indirect.scatter.add.f32 [tilespmem:s23], [sflag:$0x2], $0x80, s29, s25, $0xb8;
	[tilespmem:$0x1BC80] =	vst v63  }
0x15b: {  	s4 =	sadd.s32 $0x1, s4;
	_ =	swait.ge [sflag:s24], $0x4000  }
0x15c: {  	p1 =	sne.s32 s4, $0x28;
	[sflag:s24] =	ssyncset.done $0x0  }
.Ltmp2:
0x15d: {  	[sflag:s24] =	ssyncadd.s32 $0xFFFFC000;
	(pc) =	sbr.rel @p1 .LBB2_4-.Ltmp2, $4  }
0x15e: {  	[spmem:s2] =	stream.indirect.scatter.add.f32 [tilespmem:s26], [sflag:$0x2], $0x80, s30, s25, $0xb8;
	[tilespmem:$0x1BC80] =	vst v63  }
0x15f: {  	_ =	swait.ge [sflag:s24], $0x4000  }
0x160: {  	[sflag:s24] =	ssyncset.done $0x0  }
0x161: {  	[sflag:s24] =	ssyncadd.s32 $0xFFFFC000  }
0x162: {  	s0 =	stileid.u32  }
0x163: {  	[bflag:$0x0] =	sbarrier.arrive $0xFFFF;
	s0 =	sshll.u32 s0, $0x6  }
0x164: {  	s4 =	sshrl.u32 s7, $0x3;
	s6 =	rddreg [dreg:$0x5];
	s0 =	sor.u32 $0x1C02, s0  }
0x165: {  	[hbm:s6], [sflag:s0] =	dma.local [spmem:s4], $0x500  }
0x166: {  	_ =	swait.ge [sflag:s24], $0x500  }
0x167: {  	[sflag:s24] =	ssyncset.done $0x0  }
0x168: {  	s16 =	sshrl.u32 s8, $0x3;
	s17 =	rddreg [dreg:$0x6];
	[sflag:s24] =	ssyncadd.s32 $0xFFFFFB00  }
0x169: {  	[hbm:s17], [sflag:s0] =	dma.local [spmem:s16], $0x500  }
0x16a: {  	_ =	swait.ge [sflag:s24], $0x500  }
0x16b: {  	[sflag:s24] =	ssyncset.done $0x0  }
0x16c: {  	s15 =	sshrl.u32 s9, $0x3;
	s16 =	rddreg [dreg:$0x7];
	[sflag:s24] =	ssyncadd.s32 $0xFFFFFB00  }
0x16d: {  	[hbm:s16], [sflag:s0] =	dma.local [spmem:s15], $0x500  }
0x16e: {  	_ =	swait.ge [sflag:s24], $0x500  }
0x16f: {  	[sflag:s24] =	ssyncset.done $0x0  }
0x170: {  	s17 =	sshrl.u32 s10, $0x3;
	[sflag:s24] =	ssyncadd.s32 $0xFFFFFB00  }
0x171: {  	[hbm:s18], [sflag:s0] =	dma.local [spmem:s17], $0x500  }
0x172: {  	_ =	swait.ge [sflag:s24], $0x500  }
0x173: {  	[sflag:s24] =	ssyncset.done $0x0  }
0x174: {  	s6 =	sshrl.u32 s11, $0x3;
	[sflag:s24] =	ssyncadd.s32 $0xFFFFFB00  }
0x175: {  	[hbm:s19], [sflag:s0] =	dma.local [spmem:s6], $0x500  }
0x176: {  	_ =	swait.ge [sflag:s24], $0x500  }
0x177: {  	[sflag:s24] =	ssyncset.done $0x0  }
0x178: {  	s15 =	sshrl.u32 s12, $0x3;
	[sflag:s24] =	ssyncadd.s32 $0xFFFFFB00  }
0x179: {  	[hbm:s20], [sflag:s0] =	dma.local [spmem:s15], $0x500  }
0x17a: {  	_ =	swait.ge [sflag:s24], $0x500  }
0x17b: {  	[sflag:s24] =	ssyncset.done $0x0  }
0x17c: {  	s16 =	sshrl.u32 s13, $0x3;
	[sflag:s24] =	ssyncadd.s32 $0xFFFFFB00  }
0x17d: {  	[hbm:s21], [sflag:s0] =	dma.local [spmem:s16], $0x500  }
0x17e: {  	_ =	swait.ge [sflag:s24], $0x500  }
0x17f: {  	[sflag:s24] =	ssyncset.done $0x0  }
0x180: {  	s4 =	sshrl.u32 @!p0 s14, $0x3;
	[sflag:s24] =	ssyncadd.s32 $0xFFFFFB00  }
0x181: {  	[hbm:s22], [sflag:s0] =	dma.local @!p0 [spmem:s4], $0x500  }
0x182: {  	s0 =	simm.s32 @!p0 $0x2  }
0x183: {  	_ =	swait.ge @!p0 [sflag:s0], $0x500  }
0x184: {  	s31 =	sadd.s32 $0x1, s31;
	s17 =	rddreg [dreg:$0x4]  }
0x185: {  	p1 =	sne.s32 s31, s17  }
.Ltmp3:
0x186: {  	_ = 	snop;
	(pc) =	sbr.rel @p1 .LBB2_1-.Ltmp3, $3  }
0x187: {  	_ =	sdelay $0x1  }
0x188: {  	[sflag:s0] =	ssyncset.done @!p0 $0x0  }
0x189: {  	[sflag:s0] =	ssyncadd.s32 @!p0 $0xFFFFFB00  }
0x18a: {  	_ =	sfence.sel $0x180000  }
0x18b: {  	[bflag:$0x0] =	sbarrier.arrive $0xFFFF  }
0x18c: {  	_ =	strace $0x90000047  }
0x18d: {  	s0 =	stileid.u32;
	[bflag:$0x2] =	sbarrier.arrive $0xFFFF  }
0x18e: {  	p0 =	sne.s32 s0, $0x0;
	s0 =	rddreg [dreg:$0x3]  }
0x18f: {  	s0 =	sadd.s32 @!p0 $0x100000, s0  }
0x190: {  	[sflag:s0] =	ssyncadd.tile.s32 @!p0 $0x1;
	_ =	shalt  }
.Lfunc_end2:
_tile_overlayer_lowered:
.L_overlay_start_2:
0x191: {  	(tag) =	ssettag $0x2  }
0x192: {  	s0 =	rddreg [dreg:$0x0];
	s2 =	stileid.u32  }
0x193: {  	s1 =	rddreg [dreg:$0x1];
	p0 =	sne.s32 s2, $0x0  }
0x194: {  	s3 =	rddreg [dreg:$0x2];
	[bflag:$0x3] =	sbarrier.arrive $0xFFFF;
	s2 =	simm.s32 @!p0 $0x1C02  }
0x195: {  	[timem:s3], [sflag:s2] =	dma.local @!p0 [hbm:s0], s1  }
0x196: {  	s0 =	simm.s32 @!p0 $0x2  }
0x197: {  	_ =	swait.ge @!p0 [sflag:s0], s1  }
0x198: {  	s1 =	ssub.s32 @!p0 $0x0, s1;
	[sflag:s0] =	ssyncset.done @!p0 $0x0  }
0x199: {  	[sflag:s0] =	ssyncadd.s32 @!p0 s1  }
0x19a: {  	[bflag:$0x3] =	sbarrier.arrive $0xFFFF  }
0x19b: {  	_ =	shalt  }

</sc_bundles>
